<compile_context>
chip_gen: v7x
topology: tpu7x:2x2x1
jax: 0.10.2.dev20260603
libtpu: 0.0.44.dev20260713+nightly
codegen_flags: <defaults>
</compile_context>

<pallas_src>
import functools

import jax
import jax.numpy as jnp
from jax import lax
from jax.experimental import pallas as pl
from jax.experimental.pallas import tpu as pltpu
from jax.experimental.pallas import tpu_sc as plsc

_ROWS_T = 200
_COLS_T = 16384
_NC = 2
_NS = 16
_NW = _NC * _NS
_CW = _COLS_T // _NW
_LANES = 16
_CHUNK = 128
_N_CHUNKS = _CW // _CHUNK
_GPR = _CHUNK // _LANES


_N_TABLES = 2
_TBL = 128
_NCHAIN = _N_TABLES * _LANES


def _gather_sum_body(zt_hbm, w_hbm, out_hbm, w_v, cnt_a, cnt_b, z0_v, z1_v,
                     acc_v, sem0, sem1):
    wid = lax.axis_index("s") * _NC + lax.axis_index("c")
    base = wid * _CW

    zero = jnp.zeros((_LANES,), jnp.float32)
    ones = jnp.ones((_LANES,), jnp.float32)
    w_v[pl.ds(_TBL - _LANES, _LANES)] = zero
    pltpu.sync_copy(w_hbm, w_v.at[pl.ds(0, 119)])

    for i in range(_TBL // _LANES):
        cnt_a[pl.ds(i * _LANES, _LANES)] = zero
        cnt_b[pl.ds(i * _LANES, _LANES)] = zero

    bufs = (z0_v, z1_v)
    sems = (sem0, sem1)
    copies = [None, None]
    copies[0] = pltpu.async_copy(
        zt_hbm.at[:, pl.ds(base, _CHUNK)], z0_v, sem0)

    for s in range(_N_CHUNKS):
        if s + 1 < _N_CHUNKS:
            copies[(s + 1) % 2] = pltpu.async_copy(
                zt_hbm.at[:, pl.ds(base + (s + 1) * _CHUNK, _CHUNK)],
                bufs[(s + 1) % 2], sems[(s + 1) % 2])
        copies[s % 2].wait()
        z_v = bufs[s % 2]

        @plsc.parallel_loop(0, _ROWS_T, step=1, unroll=4)
        def body(r):
            for k in range(_GPR):
                idx = z_v[r, pl.ds(k * _LANES, _LANES)]
                plsc.addupdate_scatter(
                    cnt_a if k % 2 == 0 else cnt_b, [idx], ones)

    acc = zero
    for g in range(_TBL // _LANES):
        c = cnt_a[pl.ds(g * _LANES, _LANES)] + cnt_b[pl.ds(g * _LANES, _LANES)]
        acc = acc + c * w_v[pl.ds(g * _LANES, _LANES)]
    acc_v[...] = acc
    pltpu.sync_copy(acc_v, out_hbm.at[wid])


@jax.jit
def _gather_sum(zt, w_pad):
    mesh = plsc.VectorSubcoreMesh(core_axis_name="c", subcore_axis_name="s")
    run = functools.partial(
        pl.kernel,
        mesh=mesh,
        compiler_params=pltpu.CompilerParams(needs_layout_passes=False),
        out_type=jax.ShapeDtypeStruct((_NW, _LANES), jnp.float32),
        scratch_types=[
            pltpu.VMEM((_TBL,), jnp.float32),
            pltpu.VMEM((_TBL,), jnp.float32),
            pltpu.VMEM((_TBL,), jnp.float32),
            pltpu.VMEM((_ROWS_T, _CHUNK), jnp.int32),
            pltpu.VMEM((_ROWS_T, _CHUNK), jnp.int32),
            pltpu.VMEM((_LANES,), jnp.float32),
            pltpu.SemaphoreType.DMA,
            pltpu.SemaphoreType.DMA,
        ],
    )(_gather_sum_body)
    return run(zt, w_pad)


def kernel(Z, ref_weight):
    partials = _gather_sum(Z.T, ref_weight.reshape(-1))
    return partials.sum()

# --- scband reference (transcript-rebuilt; emitter-appended) ---
"""Pipeline reference for scband-atom-ref-energy-10368051053020 (READ-ONLY COPY).

The authoritative reference and input builder live on the scoring server;
editing this copy changes nothing except your own understanding.
"""

import jax, jax.numpy as jnp
import numpy as np

N_ELEMENTS = 119
EMBED_DIM = 1

def setup_inputs(seed: int = 0) -> dict:
    key = jax.random.key(seed)
    k1, k2 = jax.random.split(key)
    Z = jax.random.randint(k1, (16384, 200), 0, N_ELEMENTS, dtype=jnp.int64 if jax.config.jax_enable_x64 else jnp.int32).astype(jnp.int32)
    # learned parameter: nn.Embedding(119, 1) weight. Original init is zeros;
    # we use small random values so the test is numerically nontrivial.
    ref_weight = jax.random.normal(k2, (N_ELEMENTS, EMBED_DIM), dtype=jnp.float32) * 0.02
    return {"Z": Z, "ref_weight": ref_weight}

def reference(Z, ref_weight):
    # nn.Embedding lookup -> gather rows, then global sum (per original forward)
    emb = jnp.take(ref_weight, Z, axis=0)  # [B, L, 1]
    return emb.sum()

if __name__ == "__main__":
    import jax
    _d = setup_inputs()
    print(jax.jit(kernel)(*tuple(_d.values())))

</pallas_src>

<mosaic_0001>
#map = affine_map<(d0, d1) -> (0, 0)>
#map1 = affine_map<(d0, d1) -> (0)>
module attributes {stable_mosaic.version = 14 : i64} {
  func.func @_gather_sum_body(%arg0: i32, %arg1: i32, %arg2: memref<200x16384xi32, #tpu.memory_space<hbm>>, %arg3: memref<119xf32, #tpu.memory_space<hbm>>, %arg4: memref<32x16xf32, #tpu.memory_space<hbm>>, %arg5: memref<128xf32, #tpu.memory_space<vmem>>, %arg6: memref<128xf32, #tpu.memory_space<vmem>>, %arg7: memref<128xf32, #tpu.memory_space<vmem>>, %arg8: memref<200x128xi32, #tpu.memory_space<vmem>>, %arg9: memref<200x128xi32, #tpu.memory_space<vmem>>, %arg10: memref<16xf32, #tpu.memory_space<vmem>>, %arg11: memref<!tpu.dma_semaphore, #tpu.memory_space<semaphore_mem>>, %arg12: memref<!tpu.dma_semaphore, #tpu.memory_space<semaphore_mem>>) attributes {dimension_semantics = [#tpu.dimension_semantics<core_parallel>, #tpu.dimension_semantics<subcore_parallel>], iteration_bounds = array<i64: 2, 16>, scalar_prefetch = 0 : i64, scratch_operands = 8 : i64, tpu.core_type = #tpu.core_type<sc_vector_subcore>, window_params = [{transform_indices = #map}, {transform_indices = #map1}, {transform_indices = #map}]} {
    %mul3A = arith.constant 2 : i32
    %mul3A_0 = arith.muli %arg1, %mul3A : i32
    %add3A = arith.addi %mul3A_0, %arg0 : i32
    %mul3A_1 = arith.constant 512 : i32
    %mul3A_2 = arith.muli %add3A, %mul3A_1 : i32
    %broadcast_in_dim3A = arith.constant 0.000000e+00 : f32
    %broadcast_in_dim3A_3 = vector.broadcast %broadcast_in_dim3A : f32 to vector<16xf32>
    %broadcast_in_dim3A_4 = arith.constant 1.000000e+00 : f32
    %broadcast_in_dim3A_5 = vector.broadcast %broadcast_in_dim3A_4 : f32 to vector<16xf32>
    %swap3A = arith.constant 112 : index
    %swap3A_6 = tpu.vector_load %arg5[%swap3A] {strides = array<i32>} : memref<128xf32, #tpu.memory_space<vmem>>, vector<16xf32>,
    tpu.vector_store %arg5[%swap3A], %broadcast_in_dim3A_3 {strides = array<i32>} : memref<128xf32, #tpu.memory_space<vmem>>, vector<16xf32>,
    "tpu.region"() ({
      %run_scoped3A = tpu.sem_alloc : memref<!tpu.dma_semaphore, #tpu.memory_space<semaphore_mem>>
      %dma_start3A_159 = arith.constant 0 : i32
      %dma_start3A_160 = tpu.memref_slice %arg5[%dma_start3A_159] : memref<128xf32, #tpu.memory_space<vmem>> -> memref<119xf32, #tpu.memory_space<vmem>>
      %dma_start3A_161 = arith.constant 0 : i32
      %dma_start3A_162 = tpu.memref_slice %arg5[%dma_start3A_161] : memref<128xf32, #tpu.memory_space<vmem>> -> memref<119xf32, #tpu.memory_space<vmem>>
      tpu.enqueue_dma source(%arg3 : memref<119xf32, #tpu.memory_space<hbm>>) target(%dma_start3A_162 : memref<119xf32, #tpu.memory_space<vmem>>) target_semaphore(%run_scoped3A : memref<!tpu.dma_semaphore, #tpu.memory_space<semaphore_mem>>)
      %dma_wait3A_163 = arith.constant 0 : i32
      %dma_wait3A_164 = tpu.memref_slice %arg5[%dma_wait3A_163] : memref<128xf32, #tpu.memory_space<vmem>> -> memref<119xf32, #tpu.memory_space<vmem>>
      %dma_wait3A_165 = arith.constant 0 : i32
      %dma_wait3A_166 = tpu.memref_slice %arg5[%dma_wait3A_165] : memref<128xf32, #tpu.memory_space<vmem>> -> memref<119xf32, #tpu.memory_space<vmem>>
      tpu.wait_dma2 semaphore(%run_scoped3A : memref<!tpu.dma_semaphore, #tpu.memory_space<semaphore_mem>>) src(%arg3 : memref<119xf32, #tpu.memory_space<hbm>>) dst(%dma_wait3A_166 : memref<119xf32, #tpu.memory_space<vmem>>)
      tpu.yield
    }) : () -> ()
    %swap3A_7 = arith.constant 0 : index
    %swap3A_8 = tpu.vector_load %arg6[%swap3A_7] {strides = array<i32>} : memref<128xf32, #tpu.memory_space<vmem>>, vector<16xf32>,
    tpu.vector_store %arg6[%swap3A_7], %broadcast_in_dim3A_3 {strides = array<i32>} : memref<128xf32, #tpu.memory_space<vmem>>, vector<16xf32>,
    %swap3A_9 = arith.constant 0 : index
    %swap3A_10 = tpu.vector_load %arg7[%swap3A_9] {strides = array<i32>} : memref<128xf32, #tpu.memory_space<vmem>>, vector<16xf32>,
    tpu.vector_store %arg7[%swap3A_9], %broadcast_in_dim3A_3 {strides = array<i32>} : memref<128xf32, #tpu.memory_space<vmem>>, vector<16xf32>,
    %swap3A_11 = arith.constant 16 : index
    %swap3A_12 = tpu.vector_load %arg6[%swap3A_11] {strides = array<i32>} : memref<128xf32, #tpu.memory_space<vmem>>, vector<16xf32>,
    tpu.vector_store %arg6[%swap3A_11], %broadcast_in_dim3A_3 {strides = array<i32>} : memref<128xf32, #tpu.memory_space<vmem>>, vector<16xf32>,
    %swap3A_13 = arith.constant 16 : index
    %swap3A_14 = tpu.vector_load %arg7[%swap3A_13] {strides = array<i32>} : memref<128xf32, #tpu.memory_space<vmem>>, vector<16xf32>,
    tpu.vector_store %arg7[%swap3A_13], %broadcast_in_dim3A_3 {strides = array<i32>} : memref<128xf32, #tpu.memory_space<vmem>>, vector<16xf32>,
    %swap3A_15 = arith.constant 32 : index
    %swap3A_16 = tpu.vector_load %arg6[%swap3A_15] {strides = array<i32>} : memref<128xf32, #tpu.memory_space<vmem>>, vector<16xf32>,
    tpu.vector_store %arg6[%swap3A_15], %broadcast_in_dim3A_3 {strides = array<i32>} : memref<128xf32, #tpu.memory_space<vmem>>, vector<16xf32>,
    %swap3A_17 = arith.constant 32 : index
    %swap3A_18 = tpu.vector_load %arg7[%swap3A_17] {strides = array<i32>} : memref<128xf32, #tpu.memory_space<vmem>>, vector<16xf32>,
    tpu.vector_store %arg7[%swap3A_17], %broadcast_in_dim3A_3 {strides = array<i32>} : memref<128xf32, #tpu.memory_space<vmem>>, vector<16xf32>,
    %swap3A_19 = arith.constant 48 : index
    %swap3A_20 = tpu.vector_load %arg6[%swap3A_19] {strides = array<i32>} : memref<128xf32, #tpu.memory_space<vmem>>, vector<16xf32>,
    tpu.vector_store %arg6[%swap3A_19], %broadcast_in_dim3A_3 {strides = array<i32>} : memref<128xf32, #tpu.memory_space<vmem>>, vector<16xf32>,
    %swap3A_21 = arith.constant 48 : index
    %swap3A_22 = tpu.vector_load %arg7[%swap3A_21] {strides = array<i32>} : memref<128xf32, #tpu.memory_space<vmem>>, vector<16xf32>,
    tpu.vector_store %arg7[%swap3A_21], %broadcast_in_dim3A_3 {strides = array<i32>} : memref<128xf32, #tpu.memory_space<vmem>>, vector<16xf32>,
    %swap3A_23 = arith.constant 64 : index
    %swap3A_24 = tpu.vector_load %arg6[%swap3A_23] {strides = array<i32>} : memref<128xf32, #tpu.memory_space<vmem>>, vector<16xf32>,
    tpu.vector_store %arg6[%swap3A_23], %broadcast_in_dim3A_3 {strides = array<i32>} : memref<128xf32, #tpu.memory_space<vmem>>, vector<16xf32>,
    %swap3A_25 = arith.constant 64 : index
    %swap3A_26 = tpu.vector_load %arg7[%swap3A_25] {strides = array<i32>} : memref<128xf32, #tpu.memory_space<vmem>>, vector<16xf32>,
    tpu.vector_store %arg7[%swap3A_25], %broadcast_in_dim3A_3 {strides = array<i32>} : memref<128xf32, #tpu.memory_space<vmem>>, vector<16xf32>,
    %swap3A_27 = arith.constant 80 : index
    %swap3A_28 = tpu.vector_load %arg6[%swap3A_27] {strides = array<i32>} : memref<128xf32, #tpu.memory_space<vmem>>, vector<16xf32>,
    tpu.vector_store %arg6[%swap3A_27], %broadcast_in_dim3A_3 {strides = array<i32>} : memref<128xf32, #tpu.memory_space<vmem>>, vector<16xf32>,
    %swap3A_29 = arith.constant 80 : index
    %swap3A_30 = tpu.vector_load %arg7[%swap3A_29] {strides = array<i32>} : memref<128xf32, #tpu.memory_space<vmem>>, vector<16xf32>,
    tpu.vector_store %arg7[%swap3A_29], %broadcast_in_dim3A_3 {strides = array<i32>} : memref<128xf32, #tpu.memory_space<vmem>>, vector<16xf32>,
    %swap3A_31 = arith.constant 96 : index
    %swap3A_32 = tpu.vector_load %arg6[%swap3A_31] {strides = array<i32>} : memref<128xf32, #tpu.memory_space<vmem>>, vector<16xf32>,
    tpu.vector_store %arg6[%swap3A_31], %broadcast_in_dim3A_3 {strides = array<i32>} : memref<128xf32, #tpu.memory_space<vmem>>, vector<16xf32>,
    %swap3A_33 = arith.constant 96 : index
    %swap3A_34 = tpu.vector_load %arg7[%swap3A_33] {strides = array<i32>} : memref<128xf32, #tpu.memory_space<vmem>>, vector<16xf32>,
    tpu.vector_store %arg7[%swap3A_33], %broadcast_in_dim3A_3 {strides = array<i32>} : memref<128xf32, #tpu.memory_space<vmem>>, vector<16xf32>,
    %swap3A_35 = arith.constant 112 : index
    %swap3A_36 = tpu.vector_load %arg6[%swap3A_35] {strides = array<i32>} : memref<128xf32, #tpu.memory_space<vmem>>, vector<16xf32>,
    tpu.vector_store %arg6[%swap3A_35], %broadcast_in_dim3A_3 {strides = array<i32>} : memref<128xf32, #tpu.memory_space<vmem>>, vector<16xf32>,
    %swap3A_37 = arith.constant 112 : index
    %swap3A_38 = tpu.vector_load %arg7[%swap3A_37] {strides = array<i32>} : memref<128xf32, #tpu.memory_space<vmem>>, vector<16xf32>,
    tpu.vector_store %arg7[%swap3A_37], %broadcast_in_dim3A_3 {strides = array<i32>} : memref<128xf32, #tpu.memory_space<vmem>>, vector<16xf32>,
    %dma_start3A = arith.constant 0 : i32
    %dma_start3A_39 = tpu.memref_slice %arg2[%dma_start3A, %mul3A_2] : memref<200x16384xi32, #tpu.memory_space<hbm>> -> memref<200x128xi32, #tpu.memory_space<hbm>>
    %dma_start3A_40 = arith.constant 0 : i32
    %dma_start3A_41 = tpu.memref_slice %arg2[%dma_start3A_40, %mul3A_2] : memref<200x16384xi32, #tpu.memory_space<hbm>> -> memref<200x128xi32, #tpu.memory_space<hbm>>
    tpu.enqueue_dma source(%dma_start3A_41 : memref<200x128xi32, #tpu.memory_space<hbm>>) target(%arg8 : memref<200x128xi32, #tpu.memory_space<vmem>>) target_semaphore(%arg11 : memref<!tpu.dma_semaphore, #tpu.memory_space<semaphore_mem>>)
    %add3A_42 = arith.constant 128 : i32
    %add3A_43 = arith.addi %mul3A_2, %add3A_42 : i32
    %dma_start3A_44 = arith.constant 0 : i32
    %dma_start3A_45 = tpu.memref_slice %arg2[%dma_start3A_44, %add3A_43] : memref<200x16384xi32, #tpu.memory_space<hbm>> -> memref<200x128xi32, #tpu.memory_space<hbm>>
    %dma_start3A_46 = arith.constant 0 : i32
    %dma_start3A_47 = tpu.memref_slice %arg2[%dma_start3A_46, %add3A_43] : memref<200x16384xi32, #tpu.memory_space<hbm>> -> memref<200x128xi32, #tpu.memory_space<hbm>>
    tpu.enqueue_dma source(%dma_start3A_47 : memref<200x128xi32, #tpu.memory_space<hbm>>) target(%arg9 : memref<200x128xi32, #tpu.memory_space<vmem>>) target_semaphore(%arg12 : memref<!tpu.dma_semaphore, #tpu.memory_space<semaphore_mem>>)
    %dma_wait3A = arith.constant 0 : i32
    %dma_wait3A_48 = tpu.memref_slice %arg2[%dma_wait3A, %mul3A_2] : memref<200x16384xi32, #tpu.memory_space<hbm>> -> memref<200x128xi32, #tpu.memory_space<hbm>>
    %dma_wait3A_49 = arith.constant 0 : i32
    %dma_wait3A_50 = tpu.memref_slice %arg2[%dma_wait3A_49, %mul3A_2] : memref<200x16384xi32, #tpu.memory_space<hbm>> -> memref<200x128xi32, #tpu.memory_space<hbm>>
    tpu.wait_dma2 semaphore(%arg11 : memref<!tpu.dma_semaphore, #tpu.memory_space<semaphore_mem>>) src(%dma_wait3A_50 : memref<200x128xi32, #tpu.memory_space<hbm>>) dst(%arg8 : memref<200x128xi32, #tpu.memory_space<vmem>>)
    %parallel_loop3A = arith.constant 0 : i32
    %parallel_loop3A_51 = arith.constant 200 : i32
    %parallel_loop3A_52 = arith.constant 1 : i32
    scf.for %parallel_loop3A_159 = %parallel_loop3A to %parallel_loop3A_51 step %parallel_loop3A_52  : i32 {
      %parallel_loop3A_160 = arith.index_cast %parallel_loop3A_159 : i32 to index
      %parallel_loop3A_161 = arith.constant 0 : index
      %parallel_loop3A_162 = tpu.vector_load %arg8[%parallel_loop3A_160, %parallel_loop3A_161] {strides = array<i32>} : memref<200x128xi32, #tpu.memory_space<vmem>>, vector<16xi32>,
      tpu.vector_store_idx %arg6[%parallel_loop3A_162], %broadcast_in_dim3A_5 {add = true} : memref<128xf32, #tpu.memory_space<vmem>>[vector<16xi32>], vector<16xf32>,
      %parallel_loop3A_163 = arith.index_cast %parallel_loop3A_159 : i32 to index
      %parallel_loop3A_164 = arith.constant 16 : index
      %parallel_loop3A_165 = tpu.vector_load %arg8[%parallel_loop3A_163, %parallel_loop3A_164] {strides = array<i32>} : memref<200x128xi32, #tpu.memory_space<vmem>>, vector<16xi32>,
      tpu.vector_store_idx %arg7[%parallel_loop3A_165], %broadcast_in_dim3A_5 {add = true} : memref<128xf32, #tpu.memory_space<vmem>>[vector<16xi32>], vector<16xf32>,
      %parallel_loop3A_166 = arith.index_cast %parallel_loop3A_159 : i32 to index
      %parallel_loop3A_167 = arith.constant 32 : index
      %parallel_loop3A_168 = tpu.vector_load %arg8[%parallel_loop3A_166, %parallel_loop3A_167] {strides = array<i32>} : memref<200x128xi32, #tpu.memory_space<vmem>>, vector<16xi32>,
      tpu.vector_store_idx %arg6[%parallel_loop3A_168], %broadcast_in_dim3A_5 {add = true} : memref<128xf32, #tpu.memory_space<vmem>>[vector<16xi32>], vector<16xf32>,
      %parallel_loop3A_169 = arith.index_cast %parallel_loop3A_159 : i32 to index
      %parallel_loop3A_170 = arith.constant 48 : index
      %parallel_loop3A_171 = tpu.vector_load %arg8[%parallel_loop3A_169, %parallel_loop3A_170] {strides = array<i32>} : memref<200x128xi32, #tpu.memory_space<vmem>>, vector<16xi32>,
      tpu.vector_store_idx %arg7[%parallel_loop3A_171], %broadcast_in_dim3A_5 {add = true} : memref<128xf32, #tpu.memory_space<vmem>>[vector<16xi32>], vector<16xf32>,
      %parallel_loop3A_172 = arith.index_cast %parallel_loop3A_159 : i32 to index
      %parallel_loop3A_173 = arith.constant 64 : index
      %parallel_loop3A_174 = tpu.vector_load %arg8[%parallel_loop3A_172, %parallel_loop3A_173] {strides = array<i32>} : memref<200x128xi32, #tpu.memory_space<vmem>>, vector<16xi32>,
      tpu.vector_store_idx %arg6[%parallel_loop3A_174], %broadcast_in_dim3A_5 {add = true} : memref<128xf32, #tpu.memory_space<vmem>>[vector<16xi32>], vector<16xf32>,
      %parallel_loop3A_175 = arith.index_cast %parallel_loop3A_159 : i32 to index
      %parallel_loop3A_176 = arith.constant 80 : index
      %parallel_loop3A_177 = tpu.vector_load %arg8[%parallel_loop3A_175, %parallel_loop3A_176] {strides = array<i32>} : memref<200x128xi32, #tpu.memory_space<vmem>>, vector<16xi32>,
      tpu.vector_store_idx %arg7[%parallel_loop3A_177], %broadcast_in_dim3A_5 {add = true} : memref<128xf32, #tpu.memory_space<vmem>>[vector<16xi32>], vector<16xf32>,
      %parallel_loop3A_178 = arith.index_cast %parallel_loop3A_159 : i32 to index
      %parallel_loop3A_179 = arith.constant 96 : index
      %parallel_loop3A_180 = tpu.vector_load %arg8[%parallel_loop3A_178, %parallel_loop3A_179] {strides = array<i32>} : memref<200x128xi32, #tpu.memory_space<vmem>>, vector<16xi32>,
      tpu.vector_store_idx %arg6[%parallel_loop3A_180], %broadcast_in_dim3A_5 {add = true} : memref<128xf32, #tpu.memory_space<vmem>>[vector<16xi32>], vector<16xf32>,
      %parallel_loop3A_181 = arith.index_cast %parallel_loop3A_159 : i32 to index
      %parallel_loop3A_182 = arith.constant 112 : index
      %parallel_loop3A_183 = tpu.vector_load %arg8[%parallel_loop3A_181, %parallel_loop3A_182] {strides = array<i32>} : memref<200x128xi32, #tpu.memory_space<vmem>>, vector<16xi32>,
      tpu.vector_store_idx %arg7[%parallel_loop3A_183], %broadcast_in_dim3A_5 {add = true} : memref<128xf32, #tpu.memory_space<vmem>>[vector<16xi32>], vector<16xf32>,
    } {sc.loop_unroll_factor = 4 : i64, sc.parallel_access}
    %add3A_53 = arith.constant 256 : i32
    %add3A_54 = arith.addi %mul3A_2, %add3A_53 : i32
    %dma_start3A_55 = arith.constant 0 : i32
    %dma_start3A_56 = tpu.memref_slice %arg2[%dma_start3A_55, %add3A_54] : memref<200x16384xi32, #tpu.memory_space<hbm>> -> memref<200x128xi32, #tpu.memory_space<hbm>>
    %dma_start3A_57 = arith.constant 0 : i32
    %dma_start3A_58 = tpu.memref_slice %arg2[%dma_start3A_57, %add3A_54] : memref<200x16384xi32, #tpu.memory_space<hbm>> -> memref<200x128xi32, #tpu.memory_space<hbm>>
    tpu.enqueue_dma source(%dma_start3A_58 : memref<200x128xi32, #tpu.memory_space<hbm>>) target(%arg8 : memref<200x128xi32, #tpu.memory_space<vmem>>) target_semaphore(%arg11 : memref<!tpu.dma_semaphore, #tpu.memory_space<semaphore_mem>>)
    %dma_wait3A_59 = arith.constant 0 : i32
    %dma_wait3A_60 = tpu.memref_slice %arg2[%dma_wait3A_59, %add3A_43] : memref<200x16384xi32, #tpu.memory_space<hbm>> -> memref<200x128xi32, #tpu.memory_space<hbm>>
    %dma_wait3A_61 = arith.constant 0 : i32
    %dma_wait3A_62 = tpu.memref_slice %arg2[%dma_wait3A_61, %add3A_43] : memref<200x16384xi32, #tpu.memory_space<hbm>> -> memref<200x128xi32, #tpu.memory_space<hbm>>
    tpu.wait_dma2 semaphore(%arg12 : memref<!tpu.dma_semaphore, #tpu.memory_space<semaphore_mem>>) src(%dma_wait3A_62 : memref<200x128xi32, #tpu.memory_space<hbm>>) dst(%arg9 : memref<200x128xi32, #tpu.memory_space<vmem>>)
    %parallel_loop3A_63 = arith.constant 0 : i32
    %parallel_loop3A_64 = arith.constant 200 : i32
    %parallel_loop3A_65 = arith.constant 1 : i32
    scf.for %parallel_loop3A_159 = %parallel_loop3A_63 to %parallel_loop3A_64 step %parallel_loop3A_65  : i32 {
      %parallel_loop3A_160 = arith.index_cast %parallel_loop3A_159 : i32 to index
      %parallel_loop3A_161 = arith.constant 0 : index
      %parallel_loop3A_162 = tpu.vector_load %arg9[%parallel_loop3A_160, %parallel_loop3A_161] {strides = array<i32>} : memref<200x128xi32, #tpu.memory_space<vmem>>, vector<16xi32>,
      tpu.vector_store_idx %arg6[%parallel_loop3A_162], %broadcast_in_dim3A_5 {add = true} : memref<128xf32, #tpu.memory_space<vmem>>[vector<16xi32>], vector<16xf32>,
      %parallel_loop3A_163 = arith.index_cast %parallel_loop3A_159 : i32 to index
      %parallel_loop3A_164 = arith.constant 16 : index
      %parallel_loop3A_165 = tpu.vector_load %arg9[%parallel_loop3A_163, %parallel_loop3A_164] {strides = array<i32>} : memref<200x128xi32, #tpu.memory_space<vmem>>, vector<16xi32>,
      tpu.vector_store_idx %arg7[%parallel_loop3A_165], %broadcast_in_dim3A_5 {add = true} : memref<128xf32, #tpu.memory_space<vmem>>[vector<16xi32>], vector<16xf32>,
      %parallel_loop3A_166 = arith.index_cast %parallel_loop3A_159 : i32 to index
      %parallel_loop3A_167 = arith.constant 32 : index
      %parallel_loop3A_168 = tpu.vector_load %arg9[%parallel_loop3A_166, %parallel_loop3A_167] {strides = array<i32>} : memref<200x128xi32, #tpu.memory_space<vmem>>, vector<16xi32>,
      tpu.vector_store_idx %arg6[%parallel_loop3A_168], %broadcast_in_dim3A_5 {add = true} : memref<128xf32, #tpu.memory_space<vmem>>[vector<16xi32>], vector<16xf32>,
      %parallel_loop3A_169 = arith.index_cast %parallel_loop3A_159 : i32 to index
      %parallel_loop3A_170 = arith.constant 48 : index
      %parallel_loop3A_171 = tpu.vector_load %arg9[%parallel_loop3A_169, %parallel_loop3A_170] {strides = array<i32>} : memref<200x128xi32, #tpu.memory_space<vmem>>, vector<16xi32>,
      tpu.vector_store_idx %arg7[%parallel_loop3A_171], %broadcast_in_dim3A_5 {add = true} : memref<128xf32, #tpu.memory_space<vmem>>[vector<16xi32>], vector<16xf32>,
      %parallel_loop3A_172 = arith.index_cast %parallel_loop3A_159 : i32 to index
      %parallel_loop3A_173 = arith.constant 64 : index
      %parallel_loop3A_174 = tpu.vector_load %arg9[%parallel_loop3A_172, %parallel_loop3A_173] {strides = array<i32>} : memref<200x128xi32, #tpu.memory_space<vmem>>, vector<16xi32>,
      tpu.vector_store_idx %arg6[%parallel_loop3A_174], %broadcast_in_dim3A_5 {add = true} : memref<128xf32, #tpu.memory_space<vmem>>[vector<16xi32>], vector<16xf32>,
      %parallel_loop3A_175 = arith.index_cast %parallel_loop3A_159 : i32 to index
      %parallel_loop3A_176 = arith.constant 80 : index
      %parallel_loop3A_177 = tpu.vector_load %arg9[%parallel_loop3A_175, %parallel_loop3A_176] {strides = array<i32>} : memref<200x128xi32, #tpu.memory_space<vmem>>, vector<16xi32>,
      tpu.vector_store_idx %arg7[%parallel_loop3A_177], %broadcast_in_dim3A_5 {add = true} : memref<128xf32, #tpu.memory_space<vmem>>[vector<16xi32>], vector<16xf32>,
      %parallel_loop3A_178 = arith.index_cast %parallel_loop3A_159 : i32 to index
      %parallel_loop3A_179 = arith.constant 96 : index
      %parallel_loop3A_180 = tpu.vector_load %arg9[%parallel_loop3A_178, %parallel_loop3A_179] {strides = array<i32>} : memref<200x128xi32, #tpu.memory_space<vmem>>, vector<16xi32>,
      tpu.vector_store_idx %arg6[%parallel_loop3A_180], %broadcast_in_dim3A_5 {add = true} : memref<128xf32, #tpu.memory_space<vmem>>[vector<16xi32>], vector<16xf32>,
      %parallel_loop3A_181 = arith.index_cast %parallel_loop3A_159 : i32 to index
      %parallel_loop3A_182 = arith.constant 112 : index
      %parallel_loop3A_183 = tpu.vector_load %arg9[%parallel_loop3A_181, %parallel_loop3A_182] {strides = array<i32>} : memref<200x128xi32, #tpu.memory_space<vmem>>, vector<16xi32>,
      tpu.vector_store_idx %arg7[%parallel_loop3A_183], %broadcast_in_dim3A_5 {add = true} : memref<128xf32, #tpu.memory_space<vmem>>[vector<16xi32>], vector<16xf32>,
    } {sc.loop_unroll_factor = 4 : i64, sc.parallel_access}
    %add3A_66 = arith.constant 384 : i32
    %add3A_67 = arith.addi %mul3A_2, %add3A_66 : i32
    %dma_start3A_68 = arith.constant 0 : i32
    %dma_start3A_69 = tpu.memref_slice %arg2[%dma_start3A_68, %add3A_67] : memref<200x16384xi32, #tpu.memory_space<hbm>> -> memref<200x128xi32, #tpu.memory_space<hbm>>
    %dma_start3A_70 = arith.constant 0 : i32
    %dma_start3A_71 = tpu.memref_slice %arg2[%dma_start3A_70, %add3A_67] : memref<200x16384xi32, #tpu.memory_space<hbm>> -> memref<200x128xi32, #tpu.memory_space<hbm>>
    tpu.enqueue_dma source(%dma_start3A_71 : memref<200x128xi32, #tpu.memory_space<hbm>>) target(%arg9 : memref<200x128xi32, #tpu.memory_space<vmem>>) target_semaphore(%arg12 : memref<!tpu.dma_semaphore, #tpu.memory_space<semaphore_mem>>)
    %dma_wait3A_72 = arith.constant 0 : i32
    %dma_wait3A_73 = tpu.memref_slice %arg2[%dma_wait3A_72, %add3A_54] : memref<200x16384xi32, #tpu.memory_space<hbm>> -> memref<200x128xi32, #tpu.memory_space<hbm>>
    %dma_wait3A_74 = arith.constant 0 : i32
    %dma_wait3A_75 = tpu.memref_slice %arg2[%dma_wait3A_74, %add3A_54] : memref<200x16384xi32, #tpu.memory_space<hbm>> -> memref<200x128xi32, #tpu.memory_space<hbm>>
    tpu.wait_dma2 semaphore(%arg11 : memref<!tpu.dma_semaphore, #tpu.memory_space<semaphore_mem>>) src(%dma_wait3A_75 : memref<200x128xi32, #tpu.memory_space<hbm>>) dst(%arg8 : memref<200x128xi32, #tpu.memory_space<vmem>>)
    %parallel_loop3A_76 = arith.constant 0 : i32
    %parallel_loop3A_77 = arith.constant 200 : i32
    %parallel_loop3A_78 = arith.constant 1 : i32
    scf.for %parallel_loop3A_159 = %parallel_loop3A_76 to %parallel_loop3A_77 step %parallel_loop3A_78  : i32 {
      %parallel_loop3A_160 = arith.index_cast %parallel_loop3A_159 : i32 to index
      %parallel_loop3A_161 = arith.constant 0 : index
      %parallel_loop3A_162 = tpu.vector_load %arg8[%parallel_loop3A_160, %parallel_loop3A_161] {strides = array<i32>} : memref<200x128xi32, #tpu.memory_space<vmem>>, vector<16xi32>,
      tpu.vector_store_idx %arg6[%parallel_loop3A_162], %broadcast_in_dim3A_5 {add = true} : memref<128xf32, #tpu.memory_space<vmem>>[vector<16xi32>], vector<16xf32>,
      %parallel_loop3A_163 = arith.index_cast %parallel_loop3A_159 : i32 to index
      %parallel_loop3A_164 = arith.constant 16 : index
      %parallel_loop3A_165 = tpu.vector_load %arg8[%parallel_loop3A_163, %parallel_loop3A_164] {strides = array<i32>} : memref<200x128xi32, #tpu.memory_space<vmem>>, vector<16xi32>,
      tpu.vector_store_idx %arg7[%parallel_loop3A_165], %broadcast_in_dim3A_5 {add = true} : memref<128xf32, #tpu.memory_space<vmem>>[vector<16xi32>], vector<16xf32>,
      %parallel_loop3A_166 = arith.index_cast %parallel_loop3A_159 : i32 to index
      %parallel_loop3A_167 = arith.constant 32 : index
      %parallel_loop3A_168 = tpu.vector_load %arg8[%parallel_loop3A_166, %parallel_loop3A_167] {strides = array<i32>} : memref<200x128xi32, #tpu.memory_space<vmem>>, vector<16xi32>,
      tpu.vector_store_idx %arg6[%parallel_loop3A_168], %broadcast_in_dim3A_5 {add = true} : memref<128xf32, #tpu.memory_space<vmem>>[vector<16xi32>], vector<16xf32>,
      %parallel_loop3A_169 = arith.index_cast %parallel_loop3A_159 : i32 to index
      %parallel_loop3A_170 = arith.constant 48 : index
      %parallel_loop3A_171 = tpu.vector_load %arg8[%parallel_loop3A_169, %parallel_loop3A_170] {strides = array<i32>} : memref<200x128xi32, #tpu.memory_space<vmem>>, vector<16xi32>,
      tpu.vector_store_idx %arg7[%parallel_loop3A_171], %broadcast_in_dim3A_5 {add = true} : memref<128xf32, #tpu.memory_space<vmem>>[vector<16xi32>], vector<16xf32>,
      %parallel_loop3A_172 = arith.index_cast %parallel_loop3A_159 : i32 to index
      %parallel_loop3A_173 = arith.constant 64 : index
      %parallel_loop3A_174 = tpu.vector_load %arg8[%parallel_loop3A_172, %parallel_loop3A_173] {strides = array<i32>} : memref<200x128xi32, #tpu.memory_space<vmem>>, vector<16xi32>,
      tpu.vector_store_idx %arg6[%parallel_loop3A_174], %broadcast_in_dim3A_5 {add = true} : memref<128xf32, #tpu.memory_space<vmem>>[vector<16xi32>], vector<16xf32>,
      %parallel_loop3A_175 = arith.index_cast %parallel_loop3A_159 : i32 to index
      %parallel_loop3A_176 = arith.constant 80 : index
      %parallel_loop3A_177 = tpu.vector_load %arg8[%parallel_loop3A_175, %parallel_loop3A_176] {strides = array<i32>} : memref<200x128xi32, #tpu.memory_space<vmem>>, vector<16xi32>,
      tpu.vector_store_idx %arg7[%parallel_loop3A_177], %broadcast_in_dim3A_5 {add = true} : memref<128xf32, #tpu.memory_space<vmem>>[vector<16xi32>], vector<16xf32>,
      %parallel_loop3A_178 = arith.index_cast %parallel_loop3A_159 : i32 to index
      %parallel_loop3A_179 = arith.constant 96 : index
      %parallel_loop3A_180 = tpu.vector_load %arg8[%parallel_loop3A_178, %parallel_loop3A_179] {strides = array<i32>} : memref<200x128xi32, #tpu.memory_space<vmem>>, vector<16xi32>,
      tpu.vector_store_idx %arg6[%parallel_loop3A_180], %broadcast_in_dim3A_5 {add = true} : memref<128xf32, #tpu.memory_space<vmem>>[vector<16xi32>], vector<16xf32>,
      %parallel_loop3A_181 = arith.index_cast %parallel_loop3A_159 : i32 to index
      %parallel_loop3A_182 = arith.constant 112 : index
      %parallel_loop3A_183 = tpu.vector_load %arg8[%parallel_loop3A_181, %parallel_loop3A_182] {strides = array<i32>} : memref<200x128xi32, #tpu.memory_space<vmem>>, vector<16xi32>,
      tpu.vector_store_idx %arg7[%parallel_loop3A_183], %broadcast_in_dim3A_5 {add = true} : memref<128xf32, #tpu.memory_space<vmem>>[vector<16xi32>], vector<16xf32>,
    } {sc.loop_unroll_factor = 4 : i64, sc.parallel_access}
    %dma_wait3A_79 = arith.constant 0 : i32
    %dma_wait3A_80 = tpu.memref_slice %arg2[%dma_wait3A_79, %add3A_67] : memref<200x16384xi32, #tpu.memory_space<hbm>> -> memref<200x128xi32, #tpu.memory_space<hbm>>
    %dma_wait3A_81 = arith.constant 0 : i32
    %dma_wait3A_82 = tpu.memref_slice %arg2[%dma_wait3A_81, %add3A_67] : memref<200x16384xi32, #tpu.memory_space<hbm>> -> memref<200x128xi32, #tpu.memory_space<hbm>>
    tpu.wait_dma2 semaphore(%arg12 : memref<!tpu.dma_semaphore, #tpu.memory_space<semaphore_mem>>) src(%dma_wait3A_82 : memref<200x128xi32, #tpu.memory_space<hbm>>) dst(%arg9 : memref<200x128xi32, #tpu.memory_space<vmem>>)
    %parallel_loop3A_83 = arith.constant 0 : i32
    %parallel_loop3A_84 = arith.constant 200 : i32
    %parallel_loop3A_85 = arith.constant 1 : i32
    scf.for %parallel_loop3A_159 = %parallel_loop3A_83 to %parallel_loop3A_84 step %parallel_loop3A_85  : i32 {
      %parallel_loop3A_160 = arith.index_cast %parallel_loop3A_159 : i32 to index
      %parallel_loop3A_161 = arith.constant 0 : index
      %parallel_loop3A_162 = tpu.vector_load %arg9[%parallel_loop3A_160, %parallel_loop3A_161] {strides = array<i32>} : memref<200x128xi32, #tpu.memory_space<vmem>>, vector<16xi32>,
      tpu.vector_store_idx %arg6[%parallel_loop3A_162], %broadcast_in_dim3A_5 {add = true} : memref<128xf32, #tpu.memory_space<vmem>>[vector<16xi32>], vector<16xf32>,
      %parallel_loop3A_163 = arith.index_cast %parallel_loop3A_159 : i32 to index
      %parallel_loop3A_164 = arith.constant 16 : index
      %parallel_loop3A_165 = tpu.vector_load %arg9[%parallel_loop3A_163, %parallel_loop3A_164] {strides = array<i32>} : memref<200x128xi32, #tpu.memory_space<vmem>>, vector<16xi32>,
      tpu.vector_store_idx %arg7[%parallel_loop3A_165], %broadcast_in_dim3A_5 {add = true} : memref<128xf32, #tpu.memory_space<vmem>>[vector<16xi32>], vector<16xf32>,
      %parallel_loop3A_166 = arith.index_cast %parallel_loop3A_159 : i32 to index
      %parallel_loop3A_167 = arith.constant 32 : index
      %parallel_loop3A_168 = tpu.vector_load %arg9[%parallel_loop3A_166, %parallel_loop3A_167] {strides = array<i32>} : memref<200x128xi32, #tpu.memory_space<vmem>>, vector<16xi32>,
      tpu.vector_store_idx %arg6[%parallel_loop3A_168], %broadcast_in_dim3A_5 {add = true} : memref<128xf32, #tpu.memory_space<vmem>>[vector<16xi32>], vector<16xf32>,
      %parallel_loop3A_169 = arith.index_cast %parallel_loop3A_159 : i32 to index
      %parallel_loop3A_170 = arith.constant 48 : index
      %parallel_loop3A_171 = tpu.vector_load %arg9[%parallel_loop3A_169, %parallel_loop3A_170] {strides = array<i32>} : memref<200x128xi32, #tpu.memory_space<vmem>>, vector<16xi32>,
      tpu.vector_store_idx %arg7[%parallel_loop3A_171], %broadcast_in_dim3A_5 {add = true} : memref<128xf32, #tpu.memory_space<vmem>>[vector<16xi32>], vector<16xf32>,
      %parallel_loop3A_172 = arith.index_cast %parallel_loop3A_159 : i32 to index
      %parallel_loop3A_173 = arith.constant 64 : index
      %parallel_loop3A_174 = tpu.vector_load %arg9[%parallel_loop3A_172, %parallel_loop3A_173] {strides = array<i32>} : memref<200x128xi32, #tpu.memory_space<vmem>>, vector<16xi32>,
      tpu.vector_store_idx %arg6[%parallel_loop3A_174], %broadcast_in_dim3A_5 {add = true} : memref<128xf32, #tpu.memory_space<vmem>>[vector<16xi32>], vector<16xf32>,
      %parallel_loop3A_175 = arith.index_cast %parallel_loop3A_159 : i32 to index
      %parallel_loop3A_176 = arith.constant 80 : index
      %parallel_loop3A_177 = tpu.vector_load %arg9[%parallel_loop3A_175, %parallel_loop3A_176] {strides = array<i32>} : memref<200x128xi32, #tpu.memory_space<vmem>>, vector<16xi32>,
      tpu.vector_store_idx %arg7[%parallel_loop3A_177], %broadcast_in_dim3A_5 {add = true} : memref<128xf32, #tpu.memory_space<vmem>>[vector<16xi32>], vector<16xf32>,
      %parallel_loop3A_178 = arith.index_cast %parallel_loop3A_159 : i32 to index
      %parallel_loop3A_179 = arith.constant 96 : index
      %parallel_loop3A_180 = tpu.vector_load %arg9[%parallel_loop3A_178, %parallel_loop3A_179] {strides = array<i32>} : memref<200x128xi32, #tpu.memory_space<vmem>>, vector<16xi32>,
      tpu.vector_store_idx %arg6[%parallel_loop3A_180], %broadcast_in_dim3A_5 {add = true} : memref<128xf32, #tpu.memory_space<vmem>>[vector<16xi32>], vector<16xf32>,
      %parallel_loop3A_181 = arith.index_cast %parallel_loop3A_159 : i32 to index
      %parallel_loop3A_182 = arith.constant 112 : index
      %parallel_loop3A_183 = tpu.vector_load %arg9[%parallel_loop3A_181, %parallel_loop3A_182] {strides = array<i32>} : memref<200x128xi32, #tpu.memory_space<vmem>>, vector<16xi32>,
      tpu.vector_store_idx %arg7[%parallel_loop3A_183], %broadcast_in_dim3A_5 {add = true} : memref<128xf32, #tpu.memory_space<vmem>>[vector<16xi32>], vector<16xf32>,
    } {sc.loop_unroll_factor = 4 : i64, sc.parallel_access}
    %get3A = arith.constant 0 : index
    %get3A_86 = tpu.vector_load %arg6[%get3A] {strides = array<i32>} : memref<128xf32, #tpu.memory_space<vmem>>, vector<16xf32>,
    %get3A_87 = arith.constant 0 : index
    %get3A_88 = tpu.vector_load %arg7[%get3A_87] {strides = array<i32>} : memref<128xf32, #tpu.memory_space<vmem>>, vector<16xf32>,
    %add3A_89 = arith.addf %get3A_86, %get3A_88 : vector<16xf32>
    %get3A_90 = arith.constant 0 : index
    %get3A_91 = tpu.vector_load %arg5[%get3A_90] {strides = array<i32>} : memref<128xf32, #tpu.memory_space<vmem>>, vector<16xf32>,
    %mul3A_92 = arith.mulf %add3A_89, %get3A_91 : vector<16xf32>
    %add3A_93 = arith.addf %broadcast_in_dim3A_3, %mul3A_92 : vector<16xf32>
    %get3A_94 = arith.constant 16 : index
    %get3A_95 = tpu.vector_load %arg6[%get3A_94] {strides = array<i32>} : memref<128xf32, #tpu.memory_space<vmem>>, vector<16xf32>,
    %get3A_96 = arith.constant 16 : index
    %get3A_97 = tpu.vector_load %arg7[%get3A_96] {strides = array<i32>} : memref<128xf32, #tpu.memory_space<vmem>>, vector<16xf32>,
    %add3A_98 = arith.addf %get3A_95, %get3A_97 : vector<16xf32>
    %get3A_99 = arith.constant 16 : index
    %get3A_100 = tpu.vector_load %arg5[%get3A_99] {strides = array<i32>} : memref<128xf32, #tpu.memory_space<vmem>>, vector<16xf32>,
    %mul3A_101 = arith.mulf %add3A_98, %get3A_100 : vector<16xf32>
    %add3A_102 = arith.addf %add3A_93, %mul3A_101 : vector<16xf32>
    %get3A_103 = arith.constant 32 : index
    %get3A_104 = tpu.vector_load %arg6[%get3A_103] {strides = array<i32>} : memref<128xf32, #tpu.memory_space<vmem>>, vector<16xf32>,
    %get3A_105 = arith.constant 32 : index
    %get3A_106 = tpu.vector_load %arg7[%get3A_105] {strides = array<i32>} : memref<128xf32, #tpu.memory_space<vmem>>, vector<16xf32>,
    %add3A_107 = arith.addf %get3A_104, %get3A_106 : vector<16xf32>
    %get3A_108 = arith.constant 32 : index
    %get3A_109 = tpu.vector_load %arg5[%get3A_108] {strides = array<i32>} : memref<128xf32, #tpu.memory_space<vmem>>, vector<16xf32>,
    %mul3A_110 = arith.mulf %add3A_107, %get3A_109 : vector<16xf32>
    %add3A_111 = arith.addf %add3A_102, %mul3A_110 : vector<16xf32>
    %get3A_112 = arith.constant 48 : index
    %get3A_113 = tpu.vector_load %arg6[%get3A_112] {strides = array<i32>} : memref<128xf32, #tpu.memory_space<vmem>>, vector<16xf32>,
    %get3A_114 = arith.constant 48 : index
    %get3A_115 = tpu.vector_load %arg7[%get3A_114] {strides = array<i32>} : memref<128xf32, #tpu.memory_space<vmem>>, vector<16xf32>,
    %add3A_116 = arith.addf %get3A_113, %get3A_115 : vector<16xf32>
    %get3A_117 = arith.constant 48 : index
    %get3A_118 = tpu.vector_load %arg5[%get3A_117] {strides = array<i32>} : memref<128xf32, #tpu.memory_space<vmem>>, vector<16xf32>,
    %mul3A_119 = arith.mulf %add3A_116, %get3A_118 : vector<16xf32>
    %add3A_120 = arith.addf %add3A_111, %mul3A_119 : vector<16xf32>
    %get3A_121 = arith.constant 64 : index
    %get3A_122 = tpu.vector_load %arg6[%get3A_121] {strides = array<i32>} : memref<128xf32, #tpu.memory_space<vmem>>, vector<16xf32>,
    %get3A_123 = arith.constant 64 : index
    %get3A_124 = tpu.vector_load %arg7[%get3A_123] {strides = array<i32>} : memref<128xf32, #tpu.memory_space<vmem>>, vector<16xf32>,
    %add3A_125 = arith.addf %get3A_122, %get3A_124 : vector<16xf32>
    %get3A_126 = arith.constant 64 : index
    %get3A_127 = tpu.vector_load %arg5[%get3A_126] {strides = array<i32>} : memref<128xf32, #tpu.memory_space<vmem>>, vector<16xf32>,
    %mul3A_128 = arith.mulf %add3A_125, %get3A_127 : vector<16xf32>
    %add3A_129 = arith.addf %add3A_120, %mul3A_128 : vector<16xf32>
    %get3A_130 = arith.constant 80 : index
    %get3A_131 = tpu.vector_load %arg6[%get3A_130] {strides = array<i32>} : memref<128xf32, #tpu.memory_space<vmem>>, vector<16xf32>,
    %get3A_132 = arith.constant 80 : index
    %get3A_133 = tpu.vector_load %arg7[%get3A_132] {strides = array<i32>} : memref<128xf32, #tpu.memory_space<vmem>>, vector<16xf32>,
    %add3A_134 = arith.addf %get3A_131, %get3A_133 : vector<16xf32>
    %get3A_135 = arith.constant 80 : index
    %get3A_136 = tpu.vector_load %arg5[%get3A_135] {strides = array<i32>} : memref<128xf32, #tpu.memory_space<vmem>>, vector<16xf32>,
    %mul3A_137 = arith.mulf %add3A_134, %get3A_136 : vector<16xf32>
    %add3A_138 = arith.addf %add3A_129, %mul3A_137 : vector<16xf32>
    %get3A_139 = arith.constant 96 : index
    %get3A_140 = tpu.vector_load %arg6[%get3A_139] {strides = array<i32>} : memref<128xf32, #tpu.memory_space<vmem>>, vector<16xf32>,
    %get3A_141 = arith.constant 96 : index
    %get3A_142 = tpu.vector_load %arg7[%get3A_141] {strides = array<i32>} : memref<128xf32, #tpu.memory_space<vmem>>, vector<16xf32>,
    %add3A_143 = arith.addf %get3A_140, %get3A_142 : vector<16xf32>
    %get3A_144 = arith.constant 96 : index
    %get3A_145 = tpu.vector_load %arg5[%get3A_144] {strides = array<i32>} : memref<128xf32, #tpu.memory_space<vmem>>, vector<16xf32>,
    %mul3A_146 = arith.mulf %add3A_143, %get3A_145 : vector<16xf32>
    %add3A_147 = arith.addf %add3A_138, %mul3A_146 : vector<16xf32>
    %get3A_148 = arith.constant 112 : index
    %get3A_149 = tpu.vector_load %arg6[%get3A_148] {strides = array<i32>} : memref<128xf32, #tpu.memory_space<vmem>>, vector<16xf32>,
    %get3A_150 = arith.constant 112 : index
    %get3A_151 = tpu.vector_load %arg7[%get3A_150] {strides = array<i32>} : memref<128xf32, #tpu.memory_space<vmem>>, vector<16xf32>,
    %add3A_152 = arith.addf %get3A_149, %get3A_151 : vector<16xf32>
    %get3A_153 = arith.constant 112 : index
    %get3A_154 = tpu.vector_load %arg5[%get3A_153] {strides = array<i32>} : memref<128xf32, #tpu.memory_space<vmem>>, vector<16xf32>,
    %mul3A_155 = arith.mulf %add3A_152, %get3A_154 : vector<16xf32>
    %add3A_156 = arith.addf %add3A_147, %mul3A_155 : vector<16xf32>
    %swap3A_157 = arith.constant 0 : index
    %swap3A_158 = tpu.vector_load %arg10[%swap3A_157] {strides = array<i32>} : memref<16xf32, #tpu.memory_space<vmem>>, vector<16xf32>,
    tpu.vector_store %arg10[%swap3A_157], %add3A_156 {strides = array<i32>} : memref<16xf32, #tpu.memory_space<vmem>>, vector<16xf32>,
    "tpu.region"() ({
      %run_scoped3A = tpu.sem_alloc : memref<!tpu.dma_semaphore, #tpu.memory_space<semaphore_mem>>
      %dma_start3A_159 = arith.constant 0 : i32
      %dma_start3A_160 = tpu.memref_slice %arg4[%add3A, %dma_start3A_159] : memref<32x16xf32, #tpu.memory_space<hbm>> -> memref<1x16xf32, #tpu.memory_space<hbm>>
      %dma_start3A_161 = tpu.memref_squeeze %dma_start3A_160 : memref<1x16xf32, #tpu.memory_space<hbm>> -> memref<16xf32, #tpu.memory_space<hbm>>
      %dma_start3A_162 = arith.constant 0 : i32
      %dma_start3A_163 = tpu.memref_slice %arg4[%add3A, %dma_start3A_162] : memref<32x16xf32, #tpu.memory_space<hbm>> -> memref<1x16xf32, #tpu.memory_space<hbm>>
      %dma_start3A_164 = tpu.memref_squeeze %dma_start3A_163 : memref<1x16xf32, #tpu.memory_space<hbm>> -> memref<16xf32, #tpu.memory_space<hbm>>
      tpu.enqueue_dma source(%arg10 : memref<16xf32, #tpu.memory_space<vmem>>) target(%dma_start3A_164 : memref<16xf32, #tpu.memory_space<hbm>>) target_semaphore(%run_scoped3A : memref<!tpu.dma_semaphore, #tpu.memory_space<semaphore_mem>>)
      %dma_wait3A_165 = arith.constant 0 : i32
      %dma_wait3A_166 = tpu.memref_slice %arg4[%add3A, %dma_wait3A_165] : memref<32x16xf32, #tpu.memory_space<hbm>> -> memref<1x16xf32, #tpu.memory_space<hbm>>
      %dma_wait3A_167 = tpu.memref_squeeze %dma_wait3A_166 : memref<1x16xf32, #tpu.memory_space<hbm>> -> memref<16xf32, #tpu.memory_space<hbm>>
      %dma_wait3A_168 = arith.constant 0 : i32
      %dma_wait3A_169 = tpu.memref_slice %arg4[%add3A, %dma_wait3A_168] : memref<32x16xf32, #tpu.memory_space<hbm>> -> memref<1x16xf32, #tpu.memory_space<hbm>>
      %dma_wait3A_170 = tpu.memref_squeeze %dma_wait3A_169 : memref<1x16xf32, #tpu.memory_space<hbm>> -> memref<16xf32, #tpu.memory_space<hbm>>
      tpu.wait_dma2 semaphore(%run_scoped3A : memref<!tpu.dma_semaphore, #tpu.memory_space<semaphore_mem>>) src(%arg10 : memref<16xf32, #tpu.memory_space<vmem>>) dst(%dma_wait3A_170 : memref<16xf32, #tpu.memory_space<hbm>>)
      tpu.yield
    }) : () -> ()
    return
  }
}

</mosaic_0001>

<sc_bundles>
// kernel: _gather_sum.3.cloned.1.call-start
scs
__scs_entry_jumppad:
0x0: {  	(pc) =	sbr.rel $0x88, $3  }
0x1: {  	(tag) =	ssettag $0x0;
	lr =	simm.s32 $0x1  }
0x2: {  	[smem:$0x3F9F] =	sst lr;
	_ =	strace $0xD0000000  }
0x3: {  	_ = 	snop  }
0x4: {  	_ = 	snop  }
0x5: {  	_ = 	snop  }
0x6: {  	_ = 	snop  }
0x7: {  	_ = 	snop  }
__scs_overlays_trampoline_lowered:
0x8: {  	[smem:$0x3FAE] =	sst s0  }
0x9: {  	[smem:$0x3FAF] =	sst s1  }
0xa: {  	[smem:$0x3FB0] =	sst s2  }
0xb: {  	[smem:$0x3FB1] =	sst s3  }
0xc: {  	[smem:$0x3FB2] =	sst s4  }
0xd: {  	[smem:$0x3FB3] =	sst s5  }
0xe: {  	[smem:$0x3FB4] =	sst s6  }
0xf: {  	[smem:$0x3FB5] =	sst s7  }
0x10: {  	[smem:$0x3FB6] =	sst s8  }
0x11: {  	[smem:$0x3FB7] =	sst s9;
	s0 =	simm.s32 @!p0 $0x0  }
0x12: {  	s1 =	sld [smem:$0x3F9D];
	s0 =	simm.s32 @p0 $0x1  }
0x13: {  	[smem:$0x3FB8] =	sst s0;
	s0 =	simm.s32 @!p1 $0x0  }
0x14: {  	s2 =	sld [smem:$0x3F9C];
	s0 =	simm.s32 @p1 $0x1  }
0x15: {  	[smem:$0x3FB9] =	sst s0;
	s0 =	simm.s32 @!p2 $0x0  }
0x16: {  	s3 =	sld [smem:$0x3FDB];
	s0 =	simm.s32 @p2 $0x1  }
0x17: {  	s4 =	simm.s32 $0x1BF5;
	[smem:$0x3FBB] =	sst s0  }
0x18: {  	s0 =	sld [smem:$0x3F9E];
	_ =	swait.ge [sflag:s4], $0x0  }
0x19: {  	s7 =	sld [smem:$0x3F9F]  }
0x1a: {  	s8 =	sadd.s32 $0xFFFFE003, lr  }
0x1b: {  	s9 =	sadd.s32 $0xFFFFFEF7, lr;
	s5 =	simm.s32 $0xFFFFFFFF;
	p2 =	slt.u32 s8, $0xFFFFF086  }
0x1c: {  	p1 =	slt.u32 s9, $0xF7A;
	s5 =	simm.s32 @!p2 $0x0  }
0x1d: {  	s5 =	simm.s32 @p1 $0x1;
	p0 =	seq.s32 s7, s2  }
0x1e: {  	s7 =	smul.u32 @!p0 $0xF7A, s2;
	p2 =	seq.s32 @!p0 s5, $0x0  }
0x1f: {  	s9 =	smul.u32 $0xF7A, s1;
	s8 =	simm.s32 @!p0 $0x1BF5;
	p2 =	por !p2, p0  }
0x20: {  	[sflag:s8] =	ssyncset.s32 @!p0 $0xFFFFF086;
	s6 =	sadd.s32 @!p0 s3, s7;
	s7 =	simm.s32 @!p0 $0x108  }
0x21: {  	s3 =	sadd.s32 s3, s9;
	s6 =	sadd.s32 @!p0 $0x88, s6;
	s7 =	simm.s32 @p2 $0x1082  }
0x22: {  	[simem:s7], [sflag:s8] =	dma.local @!p0 [hbm:s6], $0xF7A  }
0x23: {  	s9 =	sor.u32 $0xD0000000, s2;
	s6 =	simm.s32 $0x108;
	_ =	swait.ge @!p0 [sflag:s8], $0x0  }
0x24: {  	s3 =	sadd.s32 $0x88, s3;
	s6 =	simm.s32 @!p1 $0x1082;
	[sflag:s4] =	ssyncset.s32 $0xFFFFF086  }
0x25: {  	[simem:s6], [sflag:s4] =	dma.local [hbm:s3], $0xF7A  }
0x26: {  	[smem:$0x3F9F] =	sst s1;
	(tag) =	ssettag s2;
	_ =	strace s9  }
0x27: {  	s1 =	sld [smem:$0x3FAF]  }
0x28: {  	s2 =	sld [smem:$0x3FB0]  }
0x29: {  	s4 =	sld [smem:$0x3FB2]  }
0x2a: {  	p0 =	seq.s32 s5, $0x0;
	s5 =	sld [smem:$0x3FB3]  }
0x2b: {  	s6 =	sld [smem:$0x3FB4]  }
0x2c: {  	s7 =	sld [smem:$0x3FB5]  }
0x2d: {  	s3 =	simm.s32 $0x108;
	s8 =	sld [smem:$0x3FB6]  }
0x2e: {  	s3 =	simm.s32 @!p0 $0x1082;
	s9 =	sld [smem:$0x3FB7]  }
0x2f: {  	lr =	sadd.s32 s0, s3;
	s0 =	sld [smem:$0x3FAE]  }
0x30: {  	s3 =	sld [smem:$0x3FB1]  }
0x31: {  	[smem:$0x3FBA] =	sst s10  }
0x32: {  	s10 =	sld [smem:$0x3FB8];
	_ =	sdelay $0x3  }
0x33: {  	p0 =	seq.s32 s10, $0x1;
	s10 =	sld [smem:$0x3FBA];
	_ =	sdelay $0x3  }
0x34: {  	[smem:$0x3FBA] =	sst s10  }
0x35: {  	s10 =	sld [smem:$0x3FB9];
	_ =	sdelay $0x3  }
0x36: {  	p1 =	seq.s32 s10, $0x1;
	s10 =	sld [smem:$0x3FBA];
	_ =	sdelay $0x3  }
0x37: {  	[smem:$0x3FBA] =	sst s10  }
0x38: {  	s10 =	sld [smem:$0x3FBB]  }
0x39: {  	_ = 	snop;
	(pc) =	sbr.ind lr, $3  }
0x3a: {  	_ = 	snop  }
0x3b: {  	_ = 	snop  }
0x3c: {  	p2 =	seq.s32 s10, $0x1;
	s10 =	sld [smem:$0x3FBA]  }
0x3d: {  	_ =	shalt  }
0x3e: {  	_ =	shalt  }
0x3f: {  	_ =	shalt  }
0x40: {  	_ =	shalt  }
0x41: {  	_ =	shalt  }
0x42: {  	_ =	shalt  }
0x43: {  	_ =	shalt  }
0x44: {  	_ =	shalt  }
0x45: {  	_ =	shalt  }
0x46: {  	_ =	shalt  }
0x47: {  	_ =	shalt  }
0x48: {  	_ =	shalt  }
0x49: {  	_ =	shalt  }
0x4a: {  	_ =	shalt  }
0x4b: {  	_ =	shalt  }
0x4c: {  	_ =	shalt  }
0x4d: {  	_ =	shalt  }
0x4e: {  	_ =	shalt  }
0x4f: {  	_ =	shalt  }
0x50: {  	_ =	shalt  }
0x51: {  	_ =	shalt  }
0x52: {  	_ =	shalt  }
0x53: {  	_ =	shalt  }
0x54: {  	_ =	shalt  }
0x55: {  	_ =	shalt  }
0x56: {  	_ =	shalt  }
0x57: {  	_ =	shalt  }
0x58: {  	_ =	shalt  }
0x59: {  	_ =	shalt  }
0x5a: {  	_ =	shalt  }
0x5b: {  	_ =	shalt  }
0x5c: {  	_ =	shalt  }
0x5d: {  	_ =	shalt  }
0x5e: {  	_ =	shalt  }
0x5f: {  	_ =	shalt  }
0x60: {  	_ =	shalt  }
0x61: {  	_ =	shalt  }
0x62: {  	_ =	shalt  }
0x63: {  	_ =	shalt  }
0x64: {  	_ =	shalt  }
0x65: {  	_ =	shalt  }
0x66: {  	_ =	shalt  }
0x67: {  	_ =	shalt  }
0x68: {  	_ =	shalt  }
0x69: {  	_ =	shalt  }
0x6a: {  	_ =	shalt  }
0x6b: {  	_ =	shalt  }
0x6c: {  	_ =	shalt  }
0x6d: {  	_ =	shalt  }
0x6e: {  	_ =	shalt  }
0x6f: {  	_ =	shalt  }
0x70: {  	_ =	shalt  }
0x71: {  	_ =	shalt  }
0x72: {  	_ =	shalt  }
0x73: {  	_ =	shalt  }
0x74: {  	_ =	shalt  }
0x75: {  	_ =	shalt  }
0x76: {  	_ =	shalt  }
0x77: {  	_ =	shalt  }
0x78: {  	_ =	shalt  }
0x79: {  	_ =	shalt  }
0x7a: {  	_ =	shalt  }
0x7b: {  	_ =	shalt  }
0x7c: {  	_ =	shalt  }
0x7d: {  	_ =	shalt  }
0x7e: {  	_ =	shalt  }
0x7f: {  	_ =	shalt  }
0x80: {  	_ =	shalt  }
0x81: {  	_ =	shalt  }
0x82: {  	_ =	shalt  }
0x83: {  	_ =	shalt  }
0x84: {  	_ =	shalt  }
0x85: {  	_ =	shalt  }
0x86: {  	_ =	shalt  }
0x87: {  	_ =	shalt  }
.Lfunc_end0:
.L_simem_size_0:
called_computation_lowered:
.L_overlay_start_0:
0x88: {  	s2 =	sld [smem:$0x3FD9]  }
0x89: {  	s3 =	sld [smem:$0x3FFE];
	_ =	sdelay $0x1  }
0x8a: {  	s1 =	srdreg.scid  }
0x8b: {  	s0 =	sand.u32 $0x1, s1  }
0x8c: {  	s17 =	sshll.u32 s0, $0xA;
	s2 =	sadd.s32 s3, s2  }
0x8d: {  	s2 =	sadd.s32 s2, s17  }
0x8e: {  	[smem:$0x3FC6] =	sst s2  }
0x8f: {  	_ = 	snop  }
0x90: {  	s2 =	sld [smem:$0x3FC9]  }
0x91: {  	s18 =	sld [smem:$0x3FC8];
	(tm) =	ssettm $0x1  }
0x92: {  	s4 =	sld [smem:$0x3FFB];
	_ =	sdelay $0x3  }
0x93: {  	_ =	strace s4  }
0x94: {  	s4 =	sld [smem:$0x3FFC];
	_ =	sdelay $0x3  }
0x95: {  	_ =	strace s4  }
0x96: {  	s4 =	sld [smem:$0x3FFD];
	_ =	sdelay $0x3  }
0x97: {  	_ =	strace s4  }
0x98: {  	_ =	strace $0x8FFFFFFF  }
0x99: {  	s19 =	sld [smem:$0x3FDB];
	_ =	sdelay $0x1  }
0x9a: {  	s5 =	simm.s32 $_scs_section_size  }
0x9b: {  	s6 =	simm.s32 $_size__tile_overlayer_lowered;
	s7 =	simm.s32 $_tile_overlayer_lowered  }
0x9c: {  	s22 =	simm.s32 $0x1BFF;
	s21 =	sshll.u32 s7, $0x1;
	s4 =	sadd.s32 s5, s19  }
0x9d: {  	s8 =	simm.s32 $0x0;
	s20 =	sshll.u32 s6, $0x1;
	s6 =	sadd.s32 s21, s4  }
0x9e: {  	[timem:s8], [sflag:s22] =	dma.local [hbm:s6], s20  }
0x9f: {  	_ =	swait.ge [sflag:s22], s20  }
0xa0: {  	s5 =	ssub.s32 $0x0, s20;
	[sflag:s22] =	ssyncset.done $0x0  }
0xa1: {  	[sflag:s22] =	ssyncadd.s32 s5;
	_ =	sdelay $0x1  }
0xa2: {  	s23 =	simm.s32 $0x1B8B  }
0xa3: {  	_ =	swait.ge [sflag:s23], $0x1  }
0xa4: {  	[sflag:s23] =	ssyncset.done $0x0  }
0xa5: {  	s25 =	simm.s32 $0x1B8E;
	s24 =	sld [smem:$0x3FFE];
	[sflag:s23] =	ssyncadd.s32 $0xFFFFFFFF  }
0xa6: {  	s26 =	simm.s32 $execute0_lowered;
	[smem:$0x3FD2] =	sst s25  }
0xa7: {  	s6 =	sshll.u32 s26, $0x1;
	_ =	strace $0x80000046;
	[dreg:$0x1] =	wrdreg $0xFFFFFFFF  }
0xa8: {  	s28 =	simm.s32 $_size_execute0_lowered;
	s4 =	sadd.s32 s4, s6;
	[dreg:$0x0] =	wrdreg $0x0  }
0xa9: {  	s6 =	sshll.u32 s28, $0x1;
	[dreg:$0x2] =	wrdreg s4  }
0xaa: {  	[dreg:$0x3] =	wrdreg s6  }
0xab: {  	[dreg:$0x4] =	wrdreg $0xC0  }
0xac: {  	_ =	task [dreg:s8], $0x5FFFF  }
0xad: {  	[dreg:$0x1] =	wrdreg $0xFFFFFFFF  }
0xae: {  	[dreg:$0x0] =	wrdreg $0x60  }
0xaf: {  	[dreg:$0x2] =	wrdreg s2  }
0xb0: {  	[dreg:$0x3] =	wrdreg s18  }
0xb1: {  	[dreg:$0x4] =	wrdreg s24  }
0xb2: {  	[dreg:$0x5] =	wrdreg $0x9  }
0xb3: {  	_ =	task.clear_ibuf [dreg:s8], $0x6FFFF;
	_ =	strace $0x90000046  }
0xb4: {  	s29 =	simm.s32 $0x9;
	_ =	strace $0x80000048  }
0xb5: {  	_ =	swait.ge [sflag:s29], $0x1  }
0xb6: {  	[sflag:s29] =	ssyncadd.s32 $0xFFFFFFFF  }
0xb7: {  	_ =	strace $0x90000048  }
0xb8: {  	_ =	sfence  }
0xb9: {  	s30 =	sld [smem:$0x0];
	_ =	sdelay $0x2  }
0xba: {  	s31 =	sshll.u32 s1, $0xD;
	s1 =	sshrl.u32 s1, $0x2  }
0xbb: {  	s3 =	sand.u32 $0x4000, s31;
	s1 =	sadd.s32 s1, s30  }
0xbc: {  	s0 =	sor.u32 s3, s0;
	s1 =	sshll.u32 s1, $0x11  }
0xbd: {  	s0 =	sor.u32 s1, s0  }
0xbe: {  	s0 =	sadd.s32 $0x8F2B, s0  }
0xbf: {  	[sflag:s0] =	ssyncadd.remote.s32 $0x1  }
0xc0: {  	_ =	sfence.sel $0xFFFF  }
0xc1: {  	[dreg:$0x0] =	wrdreg $0xFFFFFFFF;
	(pc) =	sbr.abs _section_cstart, $3  }
0xc2: {  	[dreg:$0x1] =	wrdreg $0xFFFFFFFF  }
0xc3: {  	_ =	task.clear_ibuf [dreg:s8], $0x2FFFF;
	_ =	strace $0x9FFFFFFF  }
0xc4: {  	(tm) =	ssettm $0x7FFFFFFF  }
0xc5: {  	_ =	shalt  }
tec
execute0_lowered:
.L_overlay_start_1:
0x0: {  	(tag) =	ssettag $0x1  }
0x1: {  	s4 =	rddreg [dreg:$0x0]  }
0x2: {  	s2 =	rddreg [dreg:$0x1]  }
0x3: {  	s5 =	rddreg [dreg:$0x2]  }
0x4: {  	s0 =	rddreg [dreg:$0x3];
	s6 =	srdreg.scid  }
0x5: {  	s1 =	stileid.u32;
	s3 =	simm.s32 $0x0;
	s10 =	simm.s32 $0x3  }
0x6: {  	s11 =	simm.s32 $0x400;
	s12 =	simm.s32 $0x20000;
	s13 =	simm.s32 $0x180  }
0x7: {  	s14 =	simm.s32 $0x6580;
	s15 =	simm.s32 $0x1;
	s16 =	simm.s32 $0x80  }
0x8: {  	s17 =	simm.s32 $0x100;
	s18 =	simm.s32 $0x2;
	s19 =	simm.s32 $0xC980  }
0x9: {  	s6 =	sand.u32 $0x1, s6;
	s7 =	sshll.u32 s1, $0x1;
	[smem:$0x7FF] =	sst s3  }
0xa: {  	s20 =	simm.s32 $0x0;
	s7 =	sor.u32 s6, s7;
	_ =	strace $0x80000047  }
0xb: {  	s6 =	ssub.s32 $0x2, s6;
	s8 =	sshll.u32 s7, $0x9;
	s7 =	sshll.u32 s7, $0x4  }
0xc: {  	s9 =	sshrl.u32 s6, $0x1;
	s4 =	sadd.s32 s4, s8;
	s31 =	sadd.s32 s7, s5  }
0xd: {  	s9 =	ssub.s32 s6, s9;
	s5 =	sadd.s32 $0x80, s4;
	s6 =	sadd.s32 $0x100, s4  }
0xe: {  	v0 =	vimm.f32 $0.0e+00;
	v1 =	vimm.f32 $1.000000000e+00;
	s7 =	sadd.s32 $0x180, s4;
	s8 =	sadd.s32 $0x400, s31;
	s9 =	smax.u32 s9, $0x1  }
.LBB2_1:
0xf: {  	[tilespmem:$0x70] =	vst v0  }
0x10: {  	[tilespmem:s3], [sflag:$0x3] =	stream.linear.gather [hbm4b:s2+s3], $0x77, $0x38;
	[tilespmem:$0xCA00] =	vst v63  }
0x11: {  	_ =	swait.ge [sflag:s10], $0x77  }
0x12: {  	[sflag:s10] =	ssyncset.done $0x0  }
0x13: {  	[sflag:s10] =	ssyncadd.s32 $0xFFFFFF89  }
0x14: {  	[tilespmem:$0x80] =	vst v0  }
0x15: {  	[tilespmem:$0x100] =	vst v0  }
0x16: {  	[tilespmem:$0x90] =	vst v0  }
0x17: {  	[tilespmem:$0x110] =	vst v0  }
0x18: {  	[tilespmem:$0xA0] =	vst v0  }
0x19: {  	[tilespmem:$0x120] =	vst v0  }
0x1a: {  	[tilespmem:$0xB0] =	vst v0  }
0x1b: {  	[tilespmem:$0x130] =	vst v0  }
0x1c: {  	[tilespmem:$0xC0] =	vst v0  }
0x1d: {  	[tilespmem:$0x140] =	vst v0  }
0x1e: {  	[tilespmem:$0xD0] =	vst v0  }
0x1f: {  	[tilespmem:$0x150] =	vst v0  }
0x20: {  	[tilespmem:$0xE0] =	vst v0  }
0x21: {  	[tilespmem:$0x160] =	vst v0  }
0x22: {  	[tilespmem:$0xF0] =	vst v0  }
0x23: {  	[tilespmem:$0x170] =	vst v0  }
0x24: {  	[tilespmem:s13], [sflag:$0x1] =	stream.strided.gather [hbm4b:s4+s11], $0x6400, s12, s11, $0x38;
	[tilespmem:$0xCA00] =	vst v63  }
0x25: {  	_ = 	snop  }
0x26: {  	[tilespmem:s14], [sflag:$0x2] =	stream.strided.gather [hbm4b:s5+s11], $0x6400, s12, s11, $0x38;
	[tilespmem:$0xCA00] =	vst v63  }
0x27: {  	_ =	swait.ge [sflag:s15], $0x6400  }
0x28: {  	[sflag:s15] =	ssyncset.done $0x0  }
0x29: {  	s21 =	simm.s32 $0x280;
	[sflag:s15] =	ssyncadd.s32 $0xFFFF9C00  }
0x2a: {  	v2 =	vld [tilespmem:s21+$0x80];
	_ =	sdelay $0x3  }
0x2b: {  	v3 =	vld [tilespmem:s21+$0xFFFFFF80]  }
0x2c: {  	v4 =	vld [tilespmem:s21+$0xFFFFFF00];
	_ =	sdelay $0x2  }
0x2d: {  	[tilespmem:v2+s16+$0x0] =	vst.idx.add.f32.msk $0xffff, v1  }
0x2e: {  	v2 =	vld [tilespmem:s21+$0x90];
	_ =	sdelay $0x1  }
0x2f: {  	v5 =	vld [tilespmem:s21+$0x0]  }
0x30: {  	[tilespmem:v3+s16+$0x0] =	vst.idx.add.f32.msk $0xffff, v1  }
0x31: {  	[tilespmem:v4+s16+$0x0] =	vst.idx.add.f32.msk $0xffff, v1  }
0x32: {  	v3 =	vld [tilespmem:s21+$0xFFFFFF10]  }
0x33: {  	v4 =	vld [tilespmem:s21+$0xFFFFFF90];
	_ =	sdelay $0x1  }
0x34: {  	[tilespmem:v2+s17+$0x0] =	vst.idx.add.f32.msk $0xffff, v1  }
0x35: {  	v2 =	vld [tilespmem:s21+$0xA0]  }
0x36: {  	[tilespmem:v5+s16+$0x0] =	vst.idx.add.f32.msk $0xffff, v1  }
0x37: {  	v5 =	vld [tilespmem:s21+$0x10];
	_ =	sdelay $0x1  }
0x38: {  	[tilespmem:v3+s17+$0x0] =	vst.idx.add.f32.msk $0xffff, v1  }
0x39: {  	[tilespmem:v4+s17+$0x0] =	vst.idx.add.f32.msk $0xffff, v1  }
0x3a: {  	v3 =	vld [tilespmem:s21+$0xFFFFFF20]  }
0x3b: {  	v4 =	vld [tilespmem:s21+$0xFFFFFFA0]  }
0x3c: {  	[tilespmem:v2+s16+$0x0] =	vst.idx.add.f32.msk $0xffff, v1  }
0x3d: {  	v2 =	vld [tilespmem:s21+$0xB0]  }
0x3e: {  	[tilespmem:v5+s17+$0x0] =	vst.idx.add.f32.msk $0xffff, v1  }
0x3f: {  	v5 =	vld [tilespmem:s21+$0x20];
	_ =	sdelay $0x2  }
0x40: {  	[tilespmem:v3+s16+$0x0] =	vst.idx.add.f32.msk $0xffff, v1  }
0x41: {  	[tilespmem:v4+s16+$0x0] =	vst.idx.add.f32.msk $0xffff, v1  }
0x42: {  	v3 =	vld [tilespmem:s21+$0xFFFFFF30]  }
0x43: {  	[tilespmem:v2+s17+$0x0] =	vst.idx.add.f32.msk $0xffff, v1  }
0x44: {  	v2 =	vld [tilespmem:s21+$0xC0]  }
0x45: {  	[tilespmem:v5+s16+$0x0] =	vst.idx.add.f32.msk $0xffff, v1  }
0x46: {  	v4 =	vld [tilespmem:s21+$0xFFFFFFB0]  }
0x47: {  	v5 =	vld [tilespmem:s21+$0x30];
	_ =	sdelay $0x2  }
0x48: {  	[tilespmem:v3+s17+$0x0] =	vst.idx.add.f32.msk $0xffff, v1  }
0x49: {  	v3 =	vld [tilespmem:s21+$0xFFFFFF40]  }
0x4a: {  	[tilespmem:v2+s16+$0x0] =	vst.idx.add.f32.msk $0xffff, v1  }
0x4b: {  	v2 =	vld [tilespmem:s21+$0xD0]  }
0x4c: {  	[tilespmem:v4+s17+$0x0] =	vst.idx.add.f32.msk $0xffff, v1  }
0x4d: {  	[tilespmem:v5+s17+$0x0] =	vst.idx.add.f32.msk $0xffff, v1  }
0x4e: {  	v4 =	vld [tilespmem:s21+$0xFFFFFFC0]  }
0x4f: {  	v5 =	vld [tilespmem:s21+$0x40];
	_ =	sdelay $0x1  }
0x50: {  	[tilespmem:v3+s16+$0x0] =	vst.idx.add.f32.msk $0xffff, v1  }
0x51: {  	v6 =	vld [tilespmem:s21+$0xFFFFFF50]  }
0x52: {  	[tilespmem:v2+s17+$0x0] =	vst.idx.add.f32.msk $0xffff, v1  }
0x53: {  	v7 =	vld [tilespmem:s21+$0xE0];
	_ =	sdelay $0x1  }
0x54: {  	[tilespmem:v4+s16+$0x0] =	vst.idx.add.f32.msk $0xffff, v1  }
0x55: {  	[tilespmem:v5+s16+$0x0] =	vst.idx.add.f32.msk $0xffff, v1  }
0x56: {  	v3 =	vld [tilespmem:s21+$0xFFFFFFD0]  }
0x57: {  	v4 =	vld [tilespmem:s21+$0x50]  }
0x58: {  	[tilespmem:v6+s17+$0x0] =	vst.idx.add.f32.msk $0xffff, v1  }
0x59: {  	v2 =	vld [tilespmem:s21+$0xFFFFFF60]  }
0x5a: {  	[tilespmem:v7+s16+$0x0] =	vst.idx.add.f32.msk $0xffff, v1  }
0x5b: {  	s22 =	simm.s32 $0x0;
	s23 =	simm.s32 $0x480;
	v5 =	vld [tilespmem:s21+$0xF0]  }
.LBB2_2:
0x5c: {  	v6 =	vld [tilespmem:s23+$0x80];
	s22 =	sadd.s32 $0x4, s22  }
0x5d: {  	v7 =	vld [tilespmem:s23+$0xFFFFFF80];
	p0 =	slt.u32 s22, $0xC4  }
0x5e: {  	v8 =	vld [tilespmem:s23+$0x0]  }
0x5f: {  	v9 =	vld [tilespmem:s23+$0xFFFFFF00]  }
0x60: {  	[tilespmem:v3+s17+$0x0] =	vst.idx.add.f32.msk $0xffff, v1  }
0x61: {  	[tilespmem:v4+s17+$0x0] =	vst.idx.add.f32.msk $0xffff, v1  }
0x62: {  	v3 =	vld [tilespmem:s21+$0xFFFFFFE0]  }
0x63: {  	[tilespmem:v5+s17+$0x0] =	vst.idx.add.f32.msk $0xffff, v1  }
0x64: {  	[tilespmem:v6+s16+$0x0] =	vst.idx.add.f32.msk $0xffff, v1  }
0x65: {  	v4 =	vld [tilespmem:s23+$0x90]  }
0x66: {  	[tilespmem:v7+s16+$0x0] =	vst.idx.add.f32.msk $0xffff, v1  }
0x67: {  	[tilespmem:v9+s16+$0x0] =	vst.idx.add.f32.msk $0xffff, v1  }
0x68: {  	[tilespmem:v8+s16+$0x0] =	vst.idx.add.f32.msk $0xffff, v1  }
0x69: {  	v5 =	vld [tilespmem:s23+$0xFFFFFF10]  }
0x6a: {  	v6 =	vld [tilespmem:s23+$0xFFFFFF90]  }
0x6b: {  	v7 =	vld [tilespmem:s23+$0x10]  }
0x6c: {  	v8 =	vld [tilespmem:s21+$0x60]  }
0x6d: {  	[tilespmem:v4+s17+$0x0] =	vst.idx.add.f32.msk $0xffff, v1  }
0x6e: {  	v4 =	vld [tilespmem:s23+$0xA0]  }
0x6f: {  	[tilespmem:v2+s16+$0x0] =	vst.idx.add.f32.msk $0xffff, v1  }
0x70: {  	[tilespmem:v3+s16+$0x0] =	vst.idx.add.f32.msk $0xffff, v1  }
0x71: {  	[tilespmem:v5+s17+$0x0] =	vst.idx.add.f32.msk $0xffff, v1  }
0x72: {  	[tilespmem:v6+s17+$0x0] =	vst.idx.add.f32.msk $0xffff, v1  }
0x73: {  	[tilespmem:v7+s17+$0x0] =	vst.idx.add.f32.msk $0xffff, v1  }
0x74: {  	v2 =	vld [tilespmem:s23+$0xFFFFFF20]  }
0x75: {  	v3 =	vld [tilespmem:s23+$0xFFFFFFA0]  }
0x76: {  	[tilespmem:v4+s16+$0x0] =	vst.idx.add.f32.msk $0xffff, v1  }
0x77: {  	v4 =	vld [tilespmem:s23+$0xB0]  }
0x78: {  	v5 =	vld [tilespmem:s23+$0x20]  }
0x79: {  	[tilespmem:v8+s16+$0x0] =	vst.idx.add.f32.msk $0xffff, v1  }
0x7a: {  	v6 =	vld [tilespmem:s21+$0xFFFFFF70]  }
0x7b: {  	v7 =	vld [tilespmem:s21+$0xFFFFFFF0]  }
0x7c: {  	[tilespmem:v2+s16+$0x0] =	vst.idx.add.f32.msk $0xffff, v1  }
0x7d: {  	[tilespmem:v3+s16+$0x0] =	vst.idx.add.f32.msk $0xffff, v1  }
0x7e: {  	v2 =	vld [tilespmem:s23+$0xFFFFFF30]  }
0x7f: {  	[tilespmem:v4+s17+$0x0] =	vst.idx.add.f32.msk $0xffff, v1  }
0x80: {  	v3 =	vld [tilespmem:s23+$0xC0]  }
0x81: {  	[tilespmem:v5+s16+$0x0] =	vst.idx.add.f32.msk $0xffff, v1  }
0x82: {  	v4 =	vld [tilespmem:s23+$0xFFFFFFB0]  }
0x83: {  	v5 =	vld [tilespmem:s23+$0x30]  }
0x84: {  	v8 =	vld [tilespmem:s21+$0x70];
	s21 =	smov.u32 s23  }
0x85: {  	[tilespmem:v6+s17+$0x0] =	vst.idx.add.f32.msk $0xffff, v1  }
0x86: {  	[tilespmem:v2+s17+$0x0] =	vst.idx.add.f32.msk $0xffff, v1  }
0x87: {  	v2 =	vld [tilespmem:s23+$0xFFFFFF40]  }
0x88: {  	[tilespmem:v3+s16+$0x0] =	vst.idx.add.f32.msk $0xffff, v1  }
0x89: {  	v3 =	vld [tilespmem:s23+$0xD0]  }
0x8a: {  	[tilespmem:v4+s17+$0x0] =	vst.idx.add.f32.msk $0xffff, v1  }
0x8b: {  	[tilespmem:v5+s17+$0x0] =	vst.idx.add.f32.msk $0xffff, v1  }
0x8c: {  	v4 =	vld [tilespmem:s23+$0xFFFFFFC0]  }
0x8d: {  	v5 =	vld [tilespmem:s23+$0x40]  }
0x8e: {  	[tilespmem:v7+s17+$0x0] =	vst.idx.add.f32.msk $0xffff, v1  }
0x8f: {  	[tilespmem:v2+s16+$0x0] =	vst.idx.add.f32.msk $0xffff, v1  }
0x90: {  	v2 =	vld [tilespmem:s23+$0xFFFFFF50]  }
0x91: {  	[tilespmem:v3+s17+$0x0] =	vst.idx.add.f32.msk $0xffff, v1  }
0x92: {  	v6 =	vld [tilespmem:s23+$0xE0]  }
0x93: {  	[tilespmem:v8+s17+$0x0] =	vst.idx.add.f32.msk $0xffff, v1  }
0x94: {  	[tilespmem:v4+s16+$0x0] =	vst.idx.add.f32.msk $0xffff, v1  }
0x95: {  	[tilespmem:v5+s16+$0x0] =	vst.idx.add.f32.msk $0xffff, v1  }
0x96: {  	v3 =	vld [tilespmem:s23+$0xFFFFFFD0]  }
.Ltmp0:
0x97: {  	v4 =	vld [tilespmem:s23+$0x50];
	(pc) =	sbr.rel @p0 .LBB2_2-.Ltmp0, $4  }
0x98: {  	[tilespmem:v2+s17+$0x0] =	vst.idx.add.f32.msk $0xffff, v1  }
0x99: {  	v2 =	vld [tilespmem:s23+$0xFFFFFF60]  }
0x9a: {  	[tilespmem:v6+s16+$0x0] =	vst.idx.add.f32.msk $0xffff, v1  }
0x9b: {  	s23 =	sadd.s32 $0x200, s23;
	v5 =	vld [tilespmem:s21+$0xF0]  }
0x9c: {  	_ =	sdelay $0x3  }
0x9d: {  	[tilespmem:v3+s17+$0x0] =	vst.idx.add.f32.msk $0xffff, v1  }
0x9e: {  	[tilespmem:v4+s17+$0x0] =	vst.idx.add.f32.msk $0xffff, v1  }
0x9f: {  	v3 =	vld [tilespmem:s21+$0xFFFFFFE0]  }
0xa0: {  	v4 =	vld [tilespmem:s21+$0x60];
	_ =	sdelay $0x4  }
0xa1: {  	[tilespmem:v2+s16+$0x0] =	vst.idx.add.f32.msk $0xffff, v1  }
0xa2: {  	v2 =	vld [tilespmem:s21+$0xFFFFFF70]  }
0xa3: {  	[tilespmem:v3+s16+$0x0] =	vst.idx.add.f32.msk $0xffff, v1  }
0xa4: {  	[tilespmem:v4+s16+$0x0] =	vst.idx.add.f32.msk $0xffff, v1  }
0xa5: {  	v3 =	vld [tilespmem:s21+$0xFFFFFFF0]  }
0xa6: {  	v4 =	vld [tilespmem:s21+$0x70];
	_ =	sdelay $0x4  }
0xa7: {  	[tilespmem:v5+s17+$0x0] =	vst.idx.add.f32.msk $0xffff, v1  }
0xa8: {  	[tilespmem:v2+s17+$0x0] =	vst.idx.add.f32.msk $0xffff, v1  }
0xa9: {  	[tilespmem:v3+s17+$0x0] =	vst.idx.add.f32.msk $0xffff, v1  }
0xaa: {  	[tilespmem:v4+s17+$0x0] =	vst.idx.add.f32.msk $0xffff, v1  }
0xab: {  	[tilespmem:s13], [sflag:$0x1] =	stream.strided.gather [hbm4b:s6+s11], $0x6400, s12, s11, $0x38;
	[tilespmem:$0xCA00] =	vst v63  }
0xac: {  	_ =	swait.ge [sflag:s18], $0x6400  }
0xad: {  	[sflag:s18] =	ssyncset.done $0x0  }
0xae: {  	s21 =	simm.s32 $0x6680;
	[sflag:s18] =	ssyncadd.s32 $0xFFFF9C00  }
0xaf: {  	v2 =	vld [tilespmem:s21+$0x80];
	_ =	sdelay $0x3  }
0xb0: {  	v3 =	vld [tilespmem:s21+$0xFFFFFF80]  }
0xb1: {  	v4 =	vld [tilespmem:s21+$0xFFFFFF00];
	_ =	sdelay $0x2  }
0xb2: {  	[tilespmem:v2+s16+$0x0] =	vst.idx.add.f32.msk $0xffff, v1  }
0xb3: {  	v2 =	vld [tilespmem:s21+$0x90];
	_ =	sdelay $0x1  }
0xb4: {  	v5 =	vld [tilespmem:s21+$0x0]  }
0xb5: {  	[tilespmem:v3+s16+$0x0] =	vst.idx.add.f32.msk $0xffff, v1  }
0xb6: {  	[tilespmem:v4+s16+$0x0] =	vst.idx.add.f32.msk $0xffff, v1  }
0xb7: {  	v3 =	vld [tilespmem:s21+$0xFFFFFF10]  }
0xb8: {  	v4 =	vld [tilespmem:s21+$0xFFFFFF90];
	_ =	sdelay $0x1  }
0xb9: {  	[tilespmem:v2+s17+$0x0] =	vst.idx.add.f32.msk $0xffff, v1  }
0xba: {  	v2 =	vld [tilespmem:s21+$0xA0]  }
0xbb: {  	[tilespmem:v5+s16+$0x0] =	vst.idx.add.f32.msk $0xffff, v1  }
0xbc: {  	v5 =	vld [tilespmem:s21+$0x10];
	_ =	sdelay $0x1  }
0xbd: {  	[tilespmem:v3+s17+$0x0] =	vst.idx.add.f32.msk $0xffff, v1  }
0xbe: {  	[tilespmem:v4+s17+$0x0] =	vst.idx.add.f32.msk $0xffff, v1  }
0xbf: {  	v3 =	vld [tilespmem:s21+$0xFFFFFF20]  }
0xc0: {  	v4 =	vld [tilespmem:s21+$0xFFFFFFA0]  }
0xc1: {  	[tilespmem:v2+s16+$0x0] =	vst.idx.add.f32.msk $0xffff, v1  }
0xc2: {  	v2 =	vld [tilespmem:s21+$0xB0]  }
0xc3: {  	[tilespmem:v5+s17+$0x0] =	vst.idx.add.f32.msk $0xffff, v1  }
0xc4: {  	v5 =	vld [tilespmem:s21+$0x20];
	_ =	sdelay $0x2  }
0xc5: {  	[tilespmem:v3+s16+$0x0] =	vst.idx.add.f32.msk $0xffff, v1  }
0xc6: {  	[tilespmem:v4+s16+$0x0] =	vst.idx.add.f32.msk $0xffff, v1  }
0xc7: {  	v3 =	vld [tilespmem:s21+$0xFFFFFF30]  }
0xc8: {  	[tilespmem:v2+s17+$0x0] =	vst.idx.add.f32.msk $0xffff, v1  }
0xc9: {  	v2 =	vld [tilespmem:s21+$0xC0]  }
0xca: {  	[tilespmem:v5+s16+$0x0] =	vst.idx.add.f32.msk $0xffff, v1  }
0xcb: {  	v4 =	vld [tilespmem:s21+$0xFFFFFFB0]  }
0xcc: {  	v5 =	vld [tilespmem:s21+$0x30];
	_ =	sdelay $0x2  }
0xcd: {  	[tilespmem:v3+s17+$0x0] =	vst.idx.add.f32.msk $0xffff, v1  }
0xce: {  	v3 =	vld [tilespmem:s21+$0xFFFFFF40]  }
0xcf: {  	[tilespmem:v2+s16+$0x0] =	vst.idx.add.f32.msk $0xffff, v1  }
0xd0: {  	v2 =	vld [tilespmem:s21+$0xD0]  }
0xd1: {  	[tilespmem:v4+s17+$0x0] =	vst.idx.add.f32.msk $0xffff, v1  }
0xd2: {  	[tilespmem:v5+s17+$0x0] =	vst.idx.add.f32.msk $0xffff, v1  }
0xd3: {  	v4 =	vld [tilespmem:s21+$0xFFFFFFC0]  }
0xd4: {  	v5 =	vld [tilespmem:s21+$0x40];
	_ =	sdelay $0x1  }
0xd5: {  	[tilespmem:v3+s16+$0x0] =	vst.idx.add.f32.msk $0xffff, v1  }
0xd6: {  	v6 =	vld [tilespmem:s21+$0xFFFFFF50]  }
0xd7: {  	[tilespmem:v2+s17+$0x0] =	vst.idx.add.f32.msk $0xffff, v1  }
0xd8: {  	v7 =	vld [tilespmem:s21+$0xE0];
	_ =	sdelay $0x1  }
0xd9: {  	[tilespmem:v4+s16+$0x0] =	vst.idx.add.f32.msk $0xffff, v1  }
0xda: {  	[tilespmem:v5+s16+$0x0] =	vst.idx.add.f32.msk $0xffff, v1  }
0xdb: {  	v3 =	vld [tilespmem:s21+$0xFFFFFFD0]  }
0xdc: {  	v4 =	vld [tilespmem:s21+$0x50]  }
0xdd: {  	[tilespmem:v6+s17+$0x0] =	vst.idx.add.f32.msk $0xffff, v1  }
0xde: {  	v2 =	vld [tilespmem:s21+$0xFFFFFF60]  }
0xdf: {  	[tilespmem:v7+s16+$0x0] =	vst.idx.add.f32.msk $0xffff, v1  }
0xe0: {  	s22 =	simm.s32 $0x0;
	s23 =	simm.s32 $0x6880;
	v5 =	vld [tilespmem:s21+$0xF0]  }
.LBB2_4:
0xe1: {  	v6 =	vld [tilespmem:s23+$0x80];
	s22 =	sadd.s32 $0x4, s22  }
0xe2: {  	v7 =	vld [tilespmem:s23+$0xFFFFFF80];
	p0 =	slt.u32 s22, $0xC4  }
0xe3: {  	v8 =	vld [tilespmem:s23+$0x0]  }
0xe4: {  	v9 =	vld [tilespmem:s23+$0xFFFFFF00]  }
0xe5: {  	[tilespmem:v3+s17+$0x0] =	vst.idx.add.f32.msk $0xffff, v1  }
0xe6: {  	[tilespmem:v4+s17+$0x0] =	vst.idx.add.f32.msk $0xffff, v1  }
0xe7: {  	v3 =	vld [tilespmem:s21+$0xFFFFFFE0]  }
0xe8: {  	[tilespmem:v5+s17+$0x0] =	vst.idx.add.f32.msk $0xffff, v1  }
0xe9: {  	[tilespmem:v6+s16+$0x0] =	vst.idx.add.f32.msk $0xffff, v1  }
0xea: {  	v4 =	vld [tilespmem:s23+$0x90]  }
0xeb: {  	[tilespmem:v7+s16+$0x0] =	vst.idx.add.f32.msk $0xffff, v1  }
0xec: {  	[tilespmem:v9+s16+$0x0] =	vst.idx.add.f32.msk $0xffff, v1  }
0xed: {  	[tilespmem:v8+s16+$0x0] =	vst.idx.add.f32.msk $0xffff, v1  }
0xee: {  	v5 =	vld [tilespmem:s23+$0xFFFFFF10]  }
0xef: {  	v6 =	vld [tilespmem:s23+$0xFFFFFF90]  }
0xf0: {  	v7 =	vld [tilespmem:s23+$0x10]  }
0xf1: {  	v8 =	vld [tilespmem:s21+$0x60]  }
0xf2: {  	[tilespmem:v4+s17+$0x0] =	vst.idx.add.f32.msk $0xffff, v1  }
0xf3: {  	v4 =	vld [tilespmem:s23+$0xA0]  }
0xf4: {  	[tilespmem:v2+s16+$0x0] =	vst.idx.add.f32.msk $0xffff, v1  }
0xf5: {  	[tilespmem:v3+s16+$0x0] =	vst.idx.add.f32.msk $0xffff, v1  }
0xf6: {  	[tilespmem:v5+s17+$0x0] =	vst.idx.add.f32.msk $0xffff, v1  }
0xf7: {  	[tilespmem:v6+s17+$0x0] =	vst.idx.add.f32.msk $0xffff, v1  }
0xf8: {  	[tilespmem:v7+s17+$0x0] =	vst.idx.add.f32.msk $0xffff, v1  }
0xf9: {  	v2 =	vld [tilespmem:s23+$0xFFFFFF20]  }
0xfa: {  	v3 =	vld [tilespmem:s23+$0xFFFFFFA0]  }
0xfb: {  	[tilespmem:v4+s16+$0x0] =	vst.idx.add.f32.msk $0xffff, v1  }
0xfc: {  	v4 =	vld [tilespmem:s23+$0xB0]  }
0xfd: {  	v5 =	vld [tilespmem:s23+$0x20]  }
0xfe: {  	[tilespmem:v8+s16+$0x0] =	vst.idx.add.f32.msk $0xffff, v1  }
0xff: {  	v6 =	vld [tilespmem:s21+$0xFFFFFF70]  }
0x100: {  	v7 =	vld [tilespmem:s21+$0xFFFFFFF0]  }
0x101: {  	[tilespmem:v2+s16+$0x0] =	vst.idx.add.f32.msk $0xffff, v1  }
0x102: {  	[tilespmem:v3+s16+$0x0] =	vst.idx.add.f32.msk $0xffff, v1  }
0x103: {  	v2 =	vld [tilespmem:s23+$0xFFFFFF30]  }
0x104: {  	[tilespmem:v4+s17+$0x0] =	vst.idx.add.f32.msk $0xffff, v1  }
0x105: {  	v3 =	vld [tilespmem:s23+$0xC0]  }
0x106: {  	[tilespmem:v5+s16+$0x0] =	vst.idx.add.f32.msk $0xffff, v1  }
0x107: {  	v4 =	vld [tilespmem:s23+$0xFFFFFFB0]  }
0x108: {  	v5 =	vld [tilespmem:s23+$0x30]  }
0x109: {  	v8 =	vld [tilespmem:s21+$0x70];
	s21 =	smov.u32 s23  }
0x10a: {  	[tilespmem:v6+s17+$0x0] =	vst.idx.add.f32.msk $0xffff, v1  }
0x10b: {  	[tilespmem:v2+s17+$0x0] =	vst.idx.add.f32.msk $0xffff, v1  }
0x10c: {  	v2 =	vld [tilespmem:s23+$0xFFFFFF40]  }
0x10d: {  	[tilespmem:v3+s16+$0x0] =	vst.idx.add.f32.msk $0xffff, v1  }
0x10e: {  	v3 =	vld [tilespmem:s23+$0xD0]  }
0x10f: {  	[tilespmem:v4+s17+$0x0] =	vst.idx.add.f32.msk $0xffff, v1  }
0x110: {  	[tilespmem:v5+s17+$0x0] =	vst.idx.add.f32.msk $0xffff, v1  }
0x111: {  	v4 =	vld [tilespmem:s23+$0xFFFFFFC0]  }
0x112: {  	v5 =	vld [tilespmem:s23+$0x40]  }
0x113: {  	[tilespmem:v7+s17+$0x0] =	vst.idx.add.f32.msk $0xffff, v1  }
0x114: {  	[tilespmem:v2+s16+$0x0] =	vst.idx.add.f32.msk $0xffff, v1  }
0x115: {  	v2 =	vld [tilespmem:s23+$0xFFFFFF50]  }
0x116: {  	[tilespmem:v3+s17+$0x0] =	vst.idx.add.f32.msk $0xffff, v1  }
0x117: {  	v6 =	vld [tilespmem:s23+$0xE0]  }
0x118: {  	[tilespmem:v8+s17+$0x0] =	vst.idx.add.f32.msk $0xffff, v1  }
0x119: {  	[tilespmem:v4+s16+$0x0] =	vst.idx.add.f32.msk $0xffff, v1  }
0x11a: {  	[tilespmem:v5+s16+$0x0] =	vst.idx.add.f32.msk $0xffff, v1  }
0x11b: {  	v3 =	vld [tilespmem:s23+$0xFFFFFFD0]  }
.Ltmp1:
0x11c: {  	v4 =	vld [tilespmem:s23+$0x50];
	(pc) =	sbr.rel @p0 .LBB2_4-.Ltmp1, $4  }
0x11d: {  	[tilespmem:v2+s17+$0x0] =	vst.idx.add.f32.msk $0xffff, v1  }
0x11e: {  	v2 =	vld [tilespmem:s23+$0xFFFFFF60]  }
0x11f: {  	[tilespmem:v6+s16+$0x0] =	vst.idx.add.f32.msk $0xffff, v1  }
0x120: {  	s23 =	sadd.s32 $0x200, s23;
	v5 =	vld [tilespmem:s21+$0xF0]  }
0x121: {  	_ =	sdelay $0x3  }
0x122: {  	[tilespmem:v3+s17+$0x0] =	vst.idx.add.f32.msk $0xffff, v1  }
0x123: {  	[tilespmem:v4+s17+$0x0] =	vst.idx.add.f32.msk $0xffff, v1  }
0x124: {  	v3 =	vld [tilespmem:s21+$0xFFFFFFE0]  }
0x125: {  	v4 =	vld [tilespmem:s21+$0x60];
	_ =	sdelay $0x4  }
0x126: {  	[tilespmem:v2+s16+$0x0] =	vst.idx.add.f32.msk $0xffff, v1  }
0x127: {  	v2 =	vld [tilespmem:s21+$0xFFFFFF70]  }
0x128: {  	[tilespmem:v3+s16+$0x0] =	vst.idx.add.f32.msk $0xffff, v1  }
0x129: {  	[tilespmem:v4+s16+$0x0] =	vst.idx.add.f32.msk $0xffff, v1  }
0x12a: {  	v3 =	vld [tilespmem:s21+$0xFFFFFFF0]  }
0x12b: {  	v4 =	vld [tilespmem:s21+$0x70];
	_ =	sdelay $0x4  }
0x12c: {  	[tilespmem:v5+s17+$0x0] =	vst.idx.add.f32.msk $0xffff, v1  }
0x12d: {  	[tilespmem:v2+s17+$0x0] =	vst.idx.add.f32.msk $0xffff, v1  }
0x12e: {  	[tilespmem:v3+s17+$0x0] =	vst.idx.add.f32.msk $0xffff, v1  }
0x12f: {  	[tilespmem:v4+s17+$0x0] =	vst.idx.add.f32.msk $0xffff, v1  }
0x130: {  	[tilespmem:s14], [sflag:$0x2] =	stream.strided.gather [hbm4b:s7+s11], $0x6400, s12, s11, $0x38;
	[tilespmem:$0xCA00] =	vst v63  }
0x131: {  	_ =	swait.ge [sflag:s15], $0x6400  }
0x132: {  	[sflag:s15] =	ssyncset.done $0x0  }
0x133: {  	s21 =	simm.s32 $0x280;
	[sflag:s15] =	ssyncadd.s32 $0xFFFF9C00  }
0x134: {  	v2 =	vld [tilespmem:s21+$0x80];
	_ =	sdelay $0x3  }
0x135: {  	v3 =	vld [tilespmem:s21+$0xFFFFFF80]  }
0x136: {  	v4 =	vld [tilespmem:s21+$0xFFFFFF00];
	_ =	sdelay $0x2  }
0x137: {  	[tilespmem:v2+s16+$0x0] =	vst.idx.add.f32.msk $0xffff, v1  }
0x138: {  	v2 =	vld [tilespmem:s21+$0x90];
	_ =	sdelay $0x1  }
0x139: {  	v5 =	vld [tilespmem:s21+$0x0]  }
0x13a: {  	[tilespmem:v3+s16+$0x0] =	vst.idx.add.f32.msk $0xffff, v1  }
0x13b: {  	[tilespmem:v4+s16+$0x0] =	vst.idx.add.f32.msk $0xffff, v1  }
0x13c: {  	v3 =	vld [tilespmem:s21+$0xFFFFFF10]  }
0x13d: {  	v4 =	vld [tilespmem:s21+$0xFFFFFF90];
	_ =	sdelay $0x1  }
0x13e: {  	[tilespmem:v2+s17+$0x0] =	vst.idx.add.f32.msk $0xffff, v1  }
0x13f: {  	v2 =	vld [tilespmem:s21+$0xA0]  }
0x140: {  	[tilespmem:v5+s16+$0x0] =	vst.idx.add.f32.msk $0xffff, v1  }
0x141: {  	v5 =	vld [tilespmem:s21+$0x10];
	_ =	sdelay $0x1  }
0x142: {  	[tilespmem:v3+s17+$0x0] =	vst.idx.add.f32.msk $0xffff, v1  }
0x143: {  	[tilespmem:v4+s17+$0x0] =	vst.idx.add.f32.msk $0xffff, v1  }
0x144: {  	v3 =	vld [tilespmem:s21+$0xFFFFFF20]  }
0x145: {  	v4 =	vld [tilespmem:s21+$0xFFFFFFA0]  }
0x146: {  	[tilespmem:v2+s16+$0x0] =	vst.idx.add.f32.msk $0xffff, v1  }
0x147: {  	v2 =	vld [tilespmem:s21+$0xB0]  }
0x148: {  	[tilespmem:v5+s17+$0x0] =	vst.idx.add.f32.msk $0xffff, v1  }
0x149: {  	v5 =	vld [tilespmem:s21+$0x20];
	_ =	sdelay $0x2  }
0x14a: {  	[tilespmem:v3+s16+$0x0] =	vst.idx.add.f32.msk $0xffff, v1  }
0x14b: {  	[tilespmem:v4+s16+$0x0] =	vst.idx.add.f32.msk $0xffff, v1  }
0x14c: {  	v3 =	vld [tilespmem:s21+$0xFFFFFF30]  }
0x14d: {  	[tilespmem:v2+s17+$0x0] =	vst.idx.add.f32.msk $0xffff, v1  }
0x14e: {  	v2 =	vld [tilespmem:s21+$0xC0]  }
0x14f: {  	[tilespmem:v5+s16+$0x0] =	vst.idx.add.f32.msk $0xffff, v1  }
0x150: {  	v4 =	vld [tilespmem:s21+$0xFFFFFFB0]  }
0x151: {  	v5 =	vld [tilespmem:s21+$0x30];
	_ =	sdelay $0x2  }
0x152: {  	[tilespmem:v3+s17+$0x0] =	vst.idx.add.f32.msk $0xffff, v1  }
0x153: {  	v3 =	vld [tilespmem:s21+$0xFFFFFF40]  }
0x154: {  	[tilespmem:v2+s16+$0x0] =	vst.idx.add.f32.msk $0xffff, v1  }
0x155: {  	v2 =	vld [tilespmem:s21+$0xD0]  }
0x156: {  	[tilespmem:v4+s17+$0x0] =	vst.idx.add.f32.msk $0xffff, v1  }
0x157: {  	[tilespmem:v5+s17+$0x0] =	vst.idx.add.f32.msk $0xffff, v1  }
0x158: {  	v4 =	vld [tilespmem:s21+$0xFFFFFFC0]  }
0x159: {  	v5 =	vld [tilespmem:s21+$0x40];
	_ =	sdelay $0x1  }
0x15a: {  	[tilespmem:v3+s16+$0x0] =	vst.idx.add.f32.msk $0xffff, v1  }
0x15b: {  	v6 =	vld [tilespmem:s21+$0xFFFFFF50]  }
0x15c: {  	[tilespmem:v2+s17+$0x0] =	vst.idx.add.f32.msk $0xffff, v1  }
0x15d: {  	v7 =	vld [tilespmem:s21+$0xE0];
	_ =	sdelay $0x1  }
0x15e: {  	[tilespmem:v4+s16+$0x0] =	vst.idx.add.f32.msk $0xffff, v1  }
0x15f: {  	[tilespmem:v5+s16+$0x0] =	vst.idx.add.f32.msk $0xffff, v1  }
0x160: {  	v3 =	vld [tilespmem:s21+$0xFFFFFFD0]  }
0x161: {  	v4 =	vld [tilespmem:s21+$0x50]  }
0x162: {  	[tilespmem:v6+s17+$0x0] =	vst.idx.add.f32.msk $0xffff, v1  }
0x163: {  	v2 =	vld [tilespmem:s21+$0xFFFFFF60]  }
0x164: {  	[tilespmem:v7+s16+$0x0] =	vst.idx.add.f32.msk $0xffff, v1  }
0x165: {  	s22 =	simm.s32 $0x0;
	s23 =	simm.s32 $0x480;
	v5 =	vld [tilespmem:s21+$0xF0]  }
.LBB2_6:
0x166: {  	v6 =	vld [tilespmem:s23+$0x80];
	s22 =	sadd.s32 $0x4, s22  }
0x167: {  	v7 =	vld [tilespmem:s23+$0xFFFFFF80];
	p0 =	slt.u32 s22, $0xC4  }
0x168: {  	v8 =	vld [tilespmem:s23+$0x0]  }
0x169: {  	v9 =	vld [tilespmem:s23+$0xFFFFFF00]  }
0x16a: {  	[tilespmem:v3+s17+$0x0] =	vst.idx.add.f32.msk $0xffff, v1  }
0x16b: {  	[tilespmem:v4+s17+$0x0] =	vst.idx.add.f32.msk $0xffff, v1  }
0x16c: {  	v3 =	vld [tilespmem:s21+$0xFFFFFFE0]  }
0x16d: {  	[tilespmem:v5+s17+$0x0] =	vst.idx.add.f32.msk $0xffff, v1  }
0x16e: {  	[tilespmem:v6+s16+$0x0] =	vst.idx.add.f32.msk $0xffff, v1  }
0x16f: {  	v4 =	vld [tilespmem:s23+$0x90]  }
0x170: {  	[tilespmem:v7+s16+$0x0] =	vst.idx.add.f32.msk $0xffff, v1  }
0x171: {  	[tilespmem:v9+s16+$0x0] =	vst.idx.add.f32.msk $0xffff, v1  }
0x172: {  	[tilespmem:v8+s16+$0x0] =	vst.idx.add.f32.msk $0xffff, v1  }
0x173: {  	v5 =	vld [tilespmem:s23+$0xFFFFFF10]  }
0x174: {  	v6 =	vld [tilespmem:s23+$0xFFFFFF90]  }
0x175: {  	v7 =	vld [tilespmem:s23+$0x10]  }
0x176: {  	v8 =	vld [tilespmem:s21+$0x60]  }
0x177: {  	[tilespmem:v4+s17+$0x0] =	vst.idx.add.f32.msk $0xffff, v1  }
0x178: {  	v4 =	vld [tilespmem:s23+$0xA0]  }
0x179: {  	[tilespmem:v2+s16+$0x0] =	vst.idx.add.f32.msk $0xffff, v1  }
0x17a: {  	[tilespmem:v3+s16+$0x0] =	vst.idx.add.f32.msk $0xffff, v1  }
0x17b: {  	[tilespmem:v5+s17+$0x0] =	vst.idx.add.f32.msk $0xffff, v1  }
0x17c: {  	[tilespmem:v6+s17+$0x0] =	vst.idx.add.f32.msk $0xffff, v1  }
0x17d: {  	[tilespmem:v7+s17+$0x0] =	vst.idx.add.f32.msk $0xffff, v1  }
0x17e: {  	v2 =	vld [tilespmem:s23+$0xFFFFFF20]  }
0x17f: {  	v3 =	vld [tilespmem:s23+$0xFFFFFFA0]  }
0x180: {  	[tilespmem:v4+s16+$0x0] =	vst.idx.add.f32.msk $0xffff, v1  }
0x181: {  	v4 =	vld [tilespmem:s23+$0xB0]  }
0x182: {  	v5 =	vld [tilespmem:s23+$0x20]  }
0x183: {  	[tilespmem:v8+s16+$0x0] =	vst.idx.add.f32.msk $0xffff, v1  }
0x184: {  	v6 =	vld [tilespmem:s21+$0xFFFFFF70]  }
0x185: {  	v7 =	vld [tilespmem:s21+$0xFFFFFFF0]  }
0x186: {  	[tilespmem:v2+s16+$0x0] =	vst.idx.add.f32.msk $0xffff, v1  }
0x187: {  	[tilespmem:v3+s16+$0x0] =	vst.idx.add.f32.msk $0xffff, v1  }
0x188: {  	v2 =	vld [tilespmem:s23+$0xFFFFFF30]  }
0x189: {  	[tilespmem:v4+s17+$0x0] =	vst.idx.add.f32.msk $0xffff, v1  }
0x18a: {  	v3 =	vld [tilespmem:s23+$0xC0]  }
0x18b: {  	[tilespmem:v5+s16+$0x0] =	vst.idx.add.f32.msk $0xffff, v1  }
0x18c: {  	v4 =	vld [tilespmem:s23+$0xFFFFFFB0]  }
0x18d: {  	v5 =	vld [tilespmem:s23+$0x30]  }
0x18e: {  	v8 =	vld [tilespmem:s21+$0x70];
	s21 =	smov.u32 s23  }
0x18f: {  	[tilespmem:v6+s17+$0x0] =	vst.idx.add.f32.msk $0xffff, v1  }
0x190: {  	[tilespmem:v2+s17+$0x0] =	vst.idx.add.f32.msk $0xffff, v1  }
0x191: {  	v2 =	vld [tilespmem:s23+$0xFFFFFF40]  }
0x192: {  	[tilespmem:v3+s16+$0x0] =	vst.idx.add.f32.msk $0xffff, v1  }
0x193: {  	v3 =	vld [tilespmem:s23+$0xD0]  }
0x194: {  	[tilespmem:v4+s17+$0x0] =	vst.idx.add.f32.msk $0xffff, v1  }
0x195: {  	[tilespmem:v5+s17+$0x0] =	vst.idx.add.f32.msk $0xffff, v1  }
0x196: {  	v4 =	vld [tilespmem:s23+$0xFFFFFFC0]  }
0x197: {  	v5 =	vld [tilespmem:s23+$0x40]  }
0x198: {  	[tilespmem:v7+s17+$0x0] =	vst.idx.add.f32.msk $0xffff, v1  }
0x199: {  	[tilespmem:v2+s16+$0x0] =	vst.idx.add.f32.msk $0xffff, v1  }
0x19a: {  	v2 =	vld [tilespmem:s23+$0xFFFFFF50]  }
0x19b: {  	[tilespmem:v3+s17+$0x0] =	vst.idx.add.f32.msk $0xffff, v1  }
0x19c: {  	v6 =	vld [tilespmem:s23+$0xE0]  }
0x19d: {  	[tilespmem:v8+s17+$0x0] =	vst.idx.add.f32.msk $0xffff, v1  }
0x19e: {  	[tilespmem:v4+s16+$0x0] =	vst.idx.add.f32.msk $0xffff, v1  }
0x19f: {  	[tilespmem:v5+s16+$0x0] =	vst.idx.add.f32.msk $0xffff, v1  }
0x1a0: {  	v3 =	vld [tilespmem:s23+$0xFFFFFFD0]  }
.Ltmp2:
0x1a1: {  	v4 =	vld [tilespmem:s23+$0x50];
	(pc) =	sbr.rel @p0 .LBB2_6-.Ltmp2, $4  }
0x1a2: {  	[tilespmem:v2+s17+$0x0] =	vst.idx.add.f32.msk $0xffff, v1  }
0x1a3: {  	v2 =	vld [tilespmem:s23+$0xFFFFFF60]  }
0x1a4: {  	[tilespmem:v6+s16+$0x0] =	vst.idx.add.f32.msk $0xffff, v1  }
0x1a5: {  	s23 =	sadd.s32 $0x200, s23;
	v5 =	vld [tilespmem:s21+$0xF0]  }
0x1a6: {  	_ =	sdelay $0x3  }
0x1a7: {  	[tilespmem:v3+s17+$0x0] =	vst.idx.add.f32.msk $0xffff, v1  }
0x1a8: {  	[tilespmem:v4+s17+$0x0] =	vst.idx.add.f32.msk $0xffff, v1  }
0x1a9: {  	v3 =	vld [tilespmem:s21+$0xFFFFFFE0]  }
0x1aa: {  	v4 =	vld [tilespmem:s21+$0x60];
	_ =	sdelay $0x4  }
0x1ab: {  	[tilespmem:v2+s16+$0x0] =	vst.idx.add.f32.msk $0xffff, v1  }
0x1ac: {  	v2 =	vld [tilespmem:s21+$0xFFFFFF70]  }
0x1ad: {  	[tilespmem:v3+s16+$0x0] =	vst.idx.add.f32.msk $0xffff, v1  }
0x1ae: {  	[tilespmem:v4+s16+$0x0] =	vst.idx.add.f32.msk $0xffff, v1  }
0x1af: {  	v3 =	vld [tilespmem:s21+$0xFFFFFFF0]  }
0x1b0: {  	v4 =	vld [tilespmem:s21+$0x70];
	_ =	sdelay $0x4  }
0x1b1: {  	[tilespmem:v5+s17+$0x0] =	vst.idx.add.f32.msk $0xffff, v1  }
0x1b2: {  	[tilespmem:v2+s17+$0x0] =	vst.idx.add.f32.msk $0xffff, v1  }
0x1b3: {  	[tilespmem:v3+s17+$0x0] =	vst.idx.add.f32.msk $0xffff, v1  }
0x1b4: {  	[tilespmem:v4+s17+$0x0] =	vst.idx.add.f32.msk $0xffff, v1  }
0x1b5: {  	_ =	swait.ge [sflag:s18], $0x6400  }
0x1b6: {  	[sflag:s18] =	ssyncset.done $0x0  }
0x1b7: {  	s21 =	simm.s32 $0x6680;
	[sflag:s18] =	ssyncadd.s32 $0xFFFF9C00  }
0x1b8: {  	v2 =	vld [tilespmem:s21+$0x80];
	_ =	sdelay $0x3  }
0x1b9: {  	v3 =	vld [tilespmem:s21+$0xFFFFFF80]  }
0x1ba: {  	v4 =	vld [tilespmem:s21+$0xFFFFFF00];
	_ =	sdelay $0x2  }
0x1bb: {  	[tilespmem:v2+s16+$0x0] =	vst.idx.add.f32.msk $0xffff, v1  }
0x1bc: {  	v2 =	vld [tilespmem:s21+$0x90];
	_ =	sdelay $0x1  }
0x1bd: {  	v5 =	vld [tilespmem:s21+$0x0]  }
0x1be: {  	[tilespmem:v3+s16+$0x0] =	vst.idx.add.f32.msk $0xffff, v1  }
0x1bf: {  	[tilespmem:v4+s16+$0x0] =	vst.idx.add.f32.msk $0xffff, v1  }
0x1c0: {  	v3 =	vld [tilespmem:s21+$0xFFFFFF10]  }
0x1c1: {  	v4 =	vld [tilespmem:s21+$0xFFFFFF90];
	_ =	sdelay $0x1  }
0x1c2: {  	[tilespmem:v2+s17+$0x0] =	vst.idx.add.f32.msk $0xffff, v1  }
0x1c3: {  	v2 =	vld [tilespmem:s21+$0xA0]  }
0x1c4: {  	[tilespmem:v5+s16+$0x0] =	vst.idx.add.f32.msk $0xffff, v1  }
0x1c5: {  	v5 =	vld [tilespmem:s21+$0x10];
	_ =	sdelay $0x1  }
0x1c6: {  	[tilespmem:v3+s17+$0x0] =	vst.idx.add.f32.msk $0xffff, v1  }
0x1c7: {  	[tilespmem:v4+s17+$0x0] =	vst.idx.add.f32.msk $0xffff, v1  }
0x1c8: {  	v3 =	vld [tilespmem:s21+$0xFFFFFF20]  }
0x1c9: {  	v4 =	vld [tilespmem:s21+$0xFFFFFFA0]  }
0x1ca: {  	[tilespmem:v2+s16+$0x0] =	vst.idx.add.f32.msk $0xffff, v1  }
0x1cb: {  	v2 =	vld [tilespmem:s21+$0xB0]  }
0x1cc: {  	[tilespmem:v5+s17+$0x0] =	vst.idx.add.f32.msk $0xffff, v1  }
0x1cd: {  	v5 =	vld [tilespmem:s21+$0x20];
	_ =	sdelay $0x2  }
0x1ce: {  	[tilespmem:v3+s16+$0x0] =	vst.idx.add.f32.msk $0xffff, v1  }
0x1cf: {  	[tilespmem:v4+s16+$0x0] =	vst.idx.add.f32.msk $0xffff, v1  }
0x1d0: {  	v3 =	vld [tilespmem:s21+$0xFFFFFF30]  }
0x1d1: {  	[tilespmem:v2+s17+$0x0] =	vst.idx.add.f32.msk $0xffff, v1  }
0x1d2: {  	v2 =	vld [tilespmem:s21+$0xC0]  }
0x1d3: {  	[tilespmem:v5+s16+$0x0] =	vst.idx.add.f32.msk $0xffff, v1  }
0x1d4: {  	v4 =	vld [tilespmem:s21+$0xFFFFFFB0]  }
0x1d5: {  	v5 =	vld [tilespmem:s21+$0x30];
	_ =	sdelay $0x2  }
0x1d6: {  	[tilespmem:v3+s17+$0x0] =	vst.idx.add.f32.msk $0xffff, v1  }
0x1d7: {  	v3 =	vld [tilespmem:s21+$0xFFFFFF40]  }
0x1d8: {  	[tilespmem:v2+s16+$0x0] =	vst.idx.add.f32.msk $0xffff, v1  }
0x1d9: {  	v2 =	vld [tilespmem:s21+$0xD0]  }
0x1da: {  	[tilespmem:v4+s17+$0x0] =	vst.idx.add.f32.msk $0xffff, v1  }
0x1db: {  	[tilespmem:v5+s17+$0x0] =	vst.idx.add.f32.msk $0xffff, v1  }
0x1dc: {  	v4 =	vld [tilespmem:s21+$0xFFFFFFC0]  }
0x1dd: {  	v5 =	vld [tilespmem:s21+$0x40];
	_ =	sdelay $0x1  }
0x1de: {  	[tilespmem:v3+s16+$0x0] =	vst.idx.add.f32.msk $0xffff, v1  }
0x1df: {  	v6 =	vld [tilespmem:s21+$0xFFFFFF50]  }
0x1e0: {  	[tilespmem:v2+s17+$0x0] =	vst.idx.add.f32.msk $0xffff, v1  }
0x1e1: {  	v7 =	vld [tilespmem:s21+$0xE0];
	_ =	sdelay $0x1  }
0x1e2: {  	[tilespmem:v4+s16+$0x0] =	vst.idx.add.f32.msk $0xffff, v1  }
0x1e3: {  	[tilespmem:v5+s16+$0x0] =	vst.idx.add.f32.msk $0xffff, v1  }
0x1e4: {  	v3 =	vld [tilespmem:s21+$0xFFFFFFD0]  }
0x1e5: {  	v4 =	vld [tilespmem:s21+$0x50]  }
0x1e6: {  	[tilespmem:v6+s17+$0x0] =	vst.idx.add.f32.msk $0xffff, v1  }
0x1e7: {  	v2 =	vld [tilespmem:s21+$0xFFFFFF60]  }
0x1e8: {  	[tilespmem:v7+s16+$0x0] =	vst.idx.add.f32.msk $0xffff, v1  }
0x1e9: {  	s22 =	simm.s32 $0x0;
	s23 =	simm.s32 $0x6880;
	v5 =	vld [tilespmem:s21+$0xF0]  }
.LBB2_8:
0x1ea: {  	v6 =	vld [tilespmem:s23+$0x80];
	s22 =	sadd.s32 $0x4, s22  }
0x1eb: {  	v7 =	vld [tilespmem:s23+$0xFFFFFF80];
	p0 =	slt.u32 s22, $0xC4  }
0x1ec: {  	v8 =	vld [tilespmem:s23+$0x0]  }
0x1ed: {  	v9 =	vld [tilespmem:s23+$0xFFFFFF00]  }
0x1ee: {  	[tilespmem:v3+s17+$0x0] =	vst.idx.add.f32.msk $0xffff, v1  }
0x1ef: {  	[tilespmem:v4+s17+$0x0] =	vst.idx.add.f32.msk $0xffff, v1  }
0x1f0: {  	v3 =	vld [tilespmem:s21+$0xFFFFFFE0]  }
0x1f1: {  	[tilespmem:v5+s17+$0x0] =	vst.idx.add.f32.msk $0xffff, v1  }
0x1f2: {  	[tilespmem:v6+s16+$0x0] =	vst.idx.add.f32.msk $0xffff, v1  }
0x1f3: {  	v4 =	vld [tilespmem:s23+$0x90]  }
0x1f4: {  	[tilespmem:v7+s16+$0x0] =	vst.idx.add.f32.msk $0xffff, v1  }
0x1f5: {  	[tilespmem:v9+s16+$0x0] =	vst.idx.add.f32.msk $0xffff, v1  }
0x1f6: {  	[tilespmem:v8+s16+$0x0] =	vst.idx.add.f32.msk $0xffff, v1  }
0x1f7: {  	v5 =	vld [tilespmem:s23+$0xFFFFFF10]  }
0x1f8: {  	v6 =	vld [tilespmem:s23+$0xFFFFFF90]  }
0x1f9: {  	v7 =	vld [tilespmem:s23+$0x10]  }
0x1fa: {  	v8 =	vld [tilespmem:s21+$0x60]  }
0x1fb: {  	[tilespmem:v4+s17+$0x0] =	vst.idx.add.f32.msk $0xffff, v1  }
0x1fc: {  	v4 =	vld [tilespmem:s23+$0xA0]  }
0x1fd: {  	[tilespmem:v2+s16+$0x0] =	vst.idx.add.f32.msk $0xffff, v1  }
0x1fe: {  	[tilespmem:v3+s16+$0x0] =	vst.idx.add.f32.msk $0xffff, v1  }
0x1ff: {  	[tilespmem:v5+s17+$0x0] =	vst.idx.add.f32.msk $0xffff, v1  }
0x200: {  	[tilespmem:v6+s17+$0x0] =	vst.idx.add.f32.msk $0xffff, v1  }
0x201: {  	[tilespmem:v7+s17+$0x0] =	vst.idx.add.f32.msk $0xffff, v1  }
0x202: {  	v2 =	vld [tilespmem:s23+$0xFFFFFF20]  }
0x203: {  	v3 =	vld [tilespmem:s23+$0xFFFFFFA0]  }
0x204: {  	[tilespmem:v4+s16+$0x0] =	vst.idx.add.f32.msk $0xffff, v1  }
0x205: {  	v4 =	vld [tilespmem:s23+$0xB0]  }
0x206: {  	v5 =	vld [tilespmem:s23+$0x20]  }
0x207: {  	[tilespmem:v8+s16+$0x0] =	vst.idx.add.f32.msk $0xffff, v1  }
0x208: {  	v6 =	vld [tilespmem:s21+$0xFFFFFF70]  }
0x209: {  	v7 =	vld [tilespmem:s21+$0xFFFFFFF0]  }
0x20a: {  	[tilespmem:v2+s16+$0x0] =	vst.idx.add.f32.msk $0xffff, v1  }
0x20b: {  	[tilespmem:v3+s16+$0x0] =	vst.idx.add.f32.msk $0xffff, v1  }
0x20c: {  	v2 =	vld [tilespmem:s23+$0xFFFFFF30]  }
0x20d: {  	[tilespmem:v4+s17+$0x0] =	vst.idx.add.f32.msk $0xffff, v1  }
0x20e: {  	v3 =	vld [tilespmem:s23+$0xC0]  }
0x20f: {  	[tilespmem:v5+s16+$0x0] =	vst.idx.add.f32.msk $0xffff, v1  }
0x210: {  	v4 =	vld [tilespmem:s23+$0xFFFFFFB0]  }
0x211: {  	v5 =	vld [tilespmem:s23+$0x30]  }
0x212: {  	v8 =	vld [tilespmem:s21+$0x70];
	s21 =	smov.u32 s23  }
0x213: {  	[tilespmem:v6+s17+$0x0] =	vst.idx.add.f32.msk $0xffff, v1  }
0x214: {  	[tilespmem:v2+s17+$0x0] =	vst.idx.add.f32.msk $0xffff, v1  }
0x215: {  	v2 =	vld [tilespmem:s23+$0xFFFFFF40]  }
0x216: {  	[tilespmem:v3+s16+$0x0] =	vst.idx.add.f32.msk $0xffff, v1  }
0x217: {  	v3 =	vld [tilespmem:s23+$0xD0]  }
0x218: {  	[tilespmem:v4+s17+$0x0] =	vst.idx.add.f32.msk $0xffff, v1  }
0x219: {  	[tilespmem:v5+s17+$0x0] =	vst.idx.add.f32.msk $0xffff, v1  }
0x21a: {  	v4 =	vld [tilespmem:s23+$0xFFFFFFC0]  }
0x21b: {  	v5 =	vld [tilespmem:s23+$0x40]  }
0x21c: {  	[tilespmem:v7+s17+$0x0] =	vst.idx.add.f32.msk $0xffff, v1  }
0x21d: {  	[tilespmem:v2+s16+$0x0] =	vst.idx.add.f32.msk $0xffff, v1  }
0x21e: {  	v2 =	vld [tilespmem:s23+$0xFFFFFF50]  }
0x21f: {  	[tilespmem:v3+s17+$0x0] =	vst.idx.add.f32.msk $0xffff, v1  }
0x220: {  	v6 =	vld [tilespmem:s23+$0xE0]  }
0x221: {  	[tilespmem:v8+s17+$0x0] =	vst.idx.add.f32.msk $0xffff, v1  }
0x222: {  	[tilespmem:v4+s16+$0x0] =	vst.idx.add.f32.msk $0xffff, v1  }
0x223: {  	[tilespmem:v5+s16+$0x0] =	vst.idx.add.f32.msk $0xffff, v1  }
0x224: {  	v3 =	vld [tilespmem:s23+$0xFFFFFFD0]  }
.Ltmp3:
0x225: {  	v4 =	vld [tilespmem:s23+$0x50];
	(pc) =	sbr.rel @p0 .LBB2_8-.Ltmp3, $4  }
0x226: {  	[tilespmem:v2+s17+$0x0] =	vst.idx.add.f32.msk $0xffff, v1  }
0x227: {  	v2 =	vld [tilespmem:s23+$0xFFFFFF60]  }
0x228: {  	[tilespmem:v6+s16+$0x0] =	vst.idx.add.f32.msk $0xffff, v1  }
0x229: {  	s23 =	sadd.s32 $0x200, s23;
	v5 =	vld [tilespmem:s21+$0xF0]  }
0x22a: {  	_ =	sdelay $0x3  }
0x22b: {  	[tilespmem:v3+s17+$0x0] =	vst.idx.add.f32.msk $0xffff, v1  }
0x22c: {  	[tilespmem:v4+s17+$0x0] =	vst.idx.add.f32.msk $0xffff, v1  }
0x22d: {  	v3 =	vld [tilespmem:s21+$0xFFFFFFE0]  }
0x22e: {  	v4 =	vld [tilespmem:s21+$0x60];
	_ =	sdelay $0x4  }
0x22f: {  	[tilespmem:v2+s16+$0x0] =	vst.idx.add.f32.msk $0xffff, v1  }
0x230: {  	v2 =	vld [tilespmem:s21+$0xFFFFFF70]  }
0x231: {  	[tilespmem:v3+s16+$0x0] =	vst.idx.add.f32.msk $0xffff, v1  }
0x232: {  	[tilespmem:v4+s16+$0x0] =	vst.idx.add.f32.msk $0xffff, v1  }
0x233: {  	v3 =	vld [tilespmem:s21+$0xFFFFFFF0]  }
0x234: {  	v4 =	vld [tilespmem:s21+$0x70];
	_ =	sdelay $0x4  }
0x235: {  	[tilespmem:v5+s17+$0x0] =	vst.idx.add.f32.msk $0xffff, v1  }
0x236: {  	[tilespmem:v2+s17+$0x0] =	vst.idx.add.f32.msk $0xffff, v1  }
0x237: {  	[tilespmem:v3+s17+$0x0] =	vst.idx.add.f32.msk $0xffff, v1  }
0x238: {  	[tilespmem:v4+s17+$0x0] =	vst.idx.add.f32.msk $0xffff, v1  }
0x239: {  	v2 =	vld [tilespmem:$0x80]  }
0x23a: {  	v3 =	vld [tilespmem:$0x100]  }
0x23b: {  	v4 =	vld [tilespmem:$0x0]  }
0x23c: {  	v5 =	vld [tilespmem:$0x90]  }
0x23d: {  	v6 =	vld [tilespmem:$0x110]  }
0x23e: {  	v7 =	vld [tilespmem:$0x10]  }
0x23f: {  	v8 =	vld [tilespmem:$0xA0]  }
0x240: {  	v9 =	vld [tilespmem:$0x120]  }
0x241: {  	v10 =	vld [tilespmem:$0x20]  }
0x242: {  	v11 =	vld [tilespmem:$0xB0]  }
0x243: {  	v12 =	vld [tilespmem:$0x130]  }
0x244: {  	v13 =	vld [tilespmem:$0x30]  }
0x245: {  	v14 =	vld [tilespmem:$0xC0]  }
0x246: {  	v15 =	vld [tilespmem:$0x40];
	v2 =	vadd.f32 v3, v2  }
0x247: {  	v48 =	vld [tilespmem:$0xD0]  }
0x248: {  	v49 =	vld [tilespmem:$0x150];
	v47 =	vadd.f32 v6, v5;
	v2 =	vmul.f32 v4, v2  }
0x249: {  	v3 =	vld [tilespmem:$0x140]  }
0x24a: {  	v51 =	vld [tilespmem:$0x50];
	v50 =	vadd.f32 v9, v8;
	v4 =	vmul.f32 v7, v47;
	v2 =	vadd.f32 $0.0e+00, v2  }
0x24b: {  	v52 =	vld [tilespmem:$0xE0]  }
0x24c: {  	v55 =	vld [tilespmem:$0x160];
	v54 =	vadd.f32 v12, v11;
	v53 =	vmul.f32 v10, v50;
	v2 =	vadd.f32 v4, v2  }
0x24d: {  	v56 =	vld [tilespmem:$0x60]  }
0x24e: {  	v58 =	vld [tilespmem:$0xF0];
	v57 =	vmul.f32 v13, v54;
	v3 =	vadd.f32 v3, v14;
	v2 =	vadd.f32 v53, v2  }
0x24f: {  	v59 =	vld [tilespmem:$0x170]  }
0x250: {  	v60 =	vadd.f32 v49, v48;
	v3 =	vmul.f32 v15, v3;
	v2 =	vadd.f32 v57, v2  }
0x251: {  	v61 =	vld [tilespmem:$0x70]  }
0x252: {  	v62 =	vadd.f32 v55, v52;
	v2 =	vadd.f32 v3, v2;
	v3 =	vmul.f32 v51, v60;
	_ =	sdelay $0x1  }
0x253: {  	v63 =	vadd.f32 v59, v58;
	v2 =	vadd.f32 v3, v2;
	v3 =	vmul.f32 v56, v62;
	_ =	sdelay $0x1  }
0x254: {  	v2 =	vadd.f32 v3, v2;
	v3 =	vmul.f32 v61, v63;
	_ =	sdelay $0x1  }
0x255: {  	s20 =	sadd.s32 $0x1, s20;
	v2 =	vadd.f32 v3, v2  }
0x256: {  	p0 =	sne.s32 s20, s9  }
.Ltmp4:
0x257: {  	[tilespmem:$0xC980] =	vst v2;
	(pc) =	sbr.rel @p0 .LBB2_1-.Ltmp4, $4  }
0x258: {  	[hbm4b:s8+s3] =	stream.linear.scatter [tilespmem:s19], [sflag:$0x3], $0x80, $0x38;
	[tilespmem:$0xCA00] =	vst v63  }
0x259: {  	_ =	swait.ge [sflag:s10], $0x80  }
0x25a: {  	[sflag:s10] =	ssyncset.done $0x0  }
0x25b: {  	[sflag:s10] =	ssyncadd.s32 $0xFFFFFF80  }
0x25c: {  	_ =	sfence.sel $0x180000  }
0x25d: {  	[bflag:$0x0] =	sbarrier.arrive $0xFFFF  }
0x25e: {  	p0 =	sne.s32 s1, $0x0;
	_ =	strace $0x90000047  }
0x25f: {  	s0 =	sadd.s32 @!p0 $0x100000, s0;
	[bflag:$0x2] =	sbarrier.arrive $0xFFFF  }
0x260: {  	[sflag:s0] =	ssyncadd.tile.s32 @!p0 $0x1;
	_ =	shalt  }
.Lfunc_end2:
_tile_overlayer_lowered:
.L_overlay_start_2:
0x261: {  	(tag) =	ssettag $0x2  }
0x262: {  	s0 =	rddreg [dreg:$0x0];
	s2 =	stileid.u32  }
0x263: {  	s1 =	rddreg [dreg:$0x1];
	p0 =	sne.s32 s2, $0x0  }
0x264: {  	s3 =	rddreg [dreg:$0x2];
	[bflag:$0x3] =	sbarrier.arrive $0xFFFF;
	s2 =	simm.s32 @!p0 $0x1C03  }
0x265: {  	[timem:s3], [sflag:s2] =	dma.local @!p0 [hbm:s0], s1  }
0x266: {  	s0 =	simm.s32 @!p0 $0x3  }
0x267: {  	_ =	swait.ge @!p0 [sflag:s0], s1  }
0x268: {  	s1 =	ssub.s32 @!p0 $0x0, s1;
	[sflag:s0] =	ssyncset.done @!p0 $0x0  }
0x269: {  	[sflag:s0] =	ssyncadd.s32 @!p0 s1  }
0x26a: {  	[bflag:$0x3] =	sbarrier.arrive $0xFFFF  }
0x26b: {  	_ =	shalt  }

</sc_bundles>
